<compile_context>
chip_gen: v7x
topology: tpu7x:2x2x1
jax: 0.10.2.dev20260603
libtpu: 0.0.44.dev20260713+nightly
codegen_flags: <defaults>
</compile_context>

<pallas_src>
import functools

import jax
import jax.numpy as jnp
from jax import lax
from jax.experimental import pallas as pl
from jax.experimental.pallas import tpu as pltpu
from jax.experimental.pallas import tpu_sc as plsc

NC = 2
NS = 16
NW = NC * NS
LANES = 16

VOCAB = 1000000
EMBED_DIM = 128
BATCH = 1024
SEQ_LEN = 200

ROWS = BATCH * SEQ_LEN
ROWS_PER_W = ROWS // NW
CHUNK = 100
GPB = SEQ_LEN // CHUNK
N_CHUNKS = ROWS_PER_W // CHUNK
N_BLOCKS = ROWS_PER_W // SEQ_LEN
HALF_ITERS = N_BLOCKS // 2
VPR = EMBED_DIM // LANES


def _emb_kernel(table_hbm, idx_hbm, pos_hbm, out_hbm,
                pos_v, idx_v, buf0, buf1, g0, g1, s0, s1):
    wid = lax.axis_index("s") * NC + lax.axis_index("c")
    base = wid * ROWS_PER_W

    pltpu.sync_copy(idx_hbm.at[wid], idx_v)
    pltpu.sync_copy(pos_hbm, pos_v)

    def init_pos(buf):
        def row_body(r, _):
            for c in range(VPR):
                sl = pl.ds(c * LANES, LANES)
                buf[r, sl] = pos_v[r, sl]
            return 0
        lax.fori_loop(0, SEQ_LEN, row_body, 0)

    def fire(j, buf, gsem):
        for k in range(GPB):
            pltpu.async_copy(
                table_hbm.at[idx_v.at[j * GPB + k]],
                buf.at[pl.ds(k * CHUNK, CHUNK)],
                gsem,
                add=True,
            )

    def wait_g(j, buf, gsem):
        for k in range(GPB):
            pltpu.make_async_copy(
                table_hbm.at[idx_v.at[j * GPB + k]],
                buf.at[pl.ds(k * CHUNK, CHUNK)],
                gsem,
            ).wait()

    def fire_store(j, buf, ssem):
        pltpu.async_copy(buf, out_hbm.at[pl.ds(base + j * SEQ_LEN, SEQ_LEN)], ssem)

    def wait_s(j, buf, ssem):
        pltpu.make_async_copy(
            buf, out_hbm.at[pl.ds(base + j * SEQ_LEN, SEQ_LEN)], ssem
        ).wait()

    init_pos(buf0)
    fire(0, buf0, g0)
    init_pos(buf1)
    fire(1, buf1, g1)

    def body(j2, _):
        jA = 2 * j2
        jB = jA + 1

        wait_g(jA, buf0, g0)
        fire_store(jA, buf0, s0)
        wait_s(jA, buf0, s0)

        @pl.when(j2 < HALF_ITERS - 1)
        def _():
            init_pos(buf0)
            fire(jA + 2, buf0, g0)

        wait_g(jB, buf1, g1)
        fire_store(jB, buf1, s1)
        wait_s(jB, buf1, s1)

        @pl.when(j2 < HALF_ITERS - 1)
        def _():
            init_pos(buf1)
            fire(jB + 2, buf1, g1)

        return 0

    lax.fori_loop(0, HALF_ITERS, body, 0)


@jax.jit
def _run(input_ids, word_emb, pos_emb):
    idx3 = input_ids.reshape(NW, N_CHUNKS, CHUNK).astype(jnp.int32)
    mesh = plsc.VectorSubcoreMesh(
        core_axis_name="c", subcore_axis_name="s",
        num_cores=NC, num_subcores=NS,
    )
    f = functools.partial(
        pl.kernel,
        out_type=jax.ShapeDtypeStruct((ROWS, EMBED_DIM), jnp.float32),
        mesh=mesh,
        scratch_types=[
            pltpu.VMEM((SEQ_LEN, EMBED_DIM), jnp.float32),
            pltpu.VMEM((N_CHUNKS, CHUNK), jnp.int32),
            pltpu.VMEM((SEQ_LEN, EMBED_DIM), jnp.float32),
            pltpu.VMEM((SEQ_LEN, EMBED_DIM), jnp.float32),
            pltpu.SemaphoreType.DMA,
            pltpu.SemaphoreType.DMA,
            pltpu.SemaphoreType.DMA,
            pltpu.SemaphoreType.DMA,
        ],
    )(_emb_kernel)
    out = f(word_emb, idx3, pos_emb)
    return out.reshape(BATCH, SEQ_LEN, EMBED_DIM)


def kernel(input_ids, word_emb, pos_emb):
    return _run(input_ids, word_emb, pos_emb)

# --- scband reference (transcript-rebuilt; emitter-appended) ---
"""Pipeline reference for scband-embedding-wrapper-3075196584400 (READ-ONLY COPY).

The authoritative reference and input builder live on the scoring server;
editing this copy changes nothing except your own understanding.
"""

import jax, jax.numpy as jnp
import numpy as np

VOCAB = 1000000
EMBED_DIM = 128
BATCH = 1024
SEQ_LEN = 200

def setup_inputs(seed: int = 0) -> dict:
    key = jax.random.key(seed)
    k1, k2, k3 = jax.random.split(key, 3)
    input_ids = jax.random.randint(k1, (BATCH, SEQ_LEN), 0, VOCAB, dtype=jnp.int64 if jax.config.jax_enable_x64 else jnp.int32)
    word_emb = jax.random.normal(k2, (VOCAB, EMBED_DIM), dtype=jnp.float32) * 0.02
    pos_emb = jax.random.normal(k3, (SEQ_LEN, EMBED_DIM), dtype=jnp.float32) * 0.02
    return {"input_ids": input_ids, "word_emb": word_emb, "pos_emb": pos_emb}

def reference(input_ids, word_emb, pos_emb):
    # forward_input_ids: no active adapter -> plain embedding lookup
    inputs_embeds = jnp.take(word_emb, input_ids, axis=0)
    # word_embed_dim == clip_embed_dim -> embedding_projection is None (identity)
    # position_ids default: position_ids[:, :seq_length] == arange(seq_length)
    seq_length = input_ids.shape[-1]
    position_ids = jnp.arange(seq_length)
    position_embeddings = jnp.take(pos_emb, position_ids, axis=0)
    embeddings = inputs_embeds + position_embeddings[None, :, :]
    return embeddings

if __name__ == "__main__":
    import jax
    _d = setup_inputs()
    print(jax.jit(kernel)(*tuple(_d.values())))

</pallas_src>

<mosaic_0001>
#map = affine_map<(d0, d1) -> (0, 0)>
#map1 = affine_map<(d0, d1) -> (0, 0, 0)>
module attributes {stable_mosaic.version = 14 : i64} {
  func.func @_emb_kernel(%arg0: i32, %arg1: i32, %arg2: memref<1000000x128xf32, #tpu.memory_space<hbm>>, %arg3: memref<32x64x100xi32, #tpu.memory_space<hbm>>, %arg4: memref<200x128xf32, #tpu.memory_space<hbm>>, %arg5: memref<204800x128xf32, #tpu.memory_space<hbm>>, %arg6: memref<200x128xf32, #tpu.memory_space<vmem>>, %arg7: memref<64x100xi32, #tpu.memory_space<vmem>>, %arg8: memref<200x128xf32, #tpu.memory_space<vmem>>, %arg9: memref<200x128xf32, #tpu.memory_space<vmem>>, %arg10: memref<!tpu.dma_semaphore, #tpu.memory_space<semaphore_mem>>, %arg11: memref<!tpu.dma_semaphore, #tpu.memory_space<semaphore_mem>>, %arg12: memref<!tpu.dma_semaphore, #tpu.memory_space<semaphore_mem>>, %arg13: memref<!tpu.dma_semaphore, #tpu.memory_space<semaphore_mem>>) attributes {dimension_semantics = [#tpu.dimension_semantics<core_parallel>, #tpu.dimension_semantics<subcore_parallel>], iteration_bounds = array<i64: 2, 16>, scalar_prefetch = 0 : i64, scratch_operands = 8 : i64, tpu.core_type = #tpu.core_type<sc_vector_subcore>, window_params = [{transform_indices = #map}, {transform_indices = #map1}, {transform_indices = #map}, {transform_indices = #map}]} {
    %mul3A = arith.constant 2 : i32
    %mul3A_0 = arith.muli %arg1, %mul3A : i32
    %add3A = arith.addi %mul3A_0, %arg0 : i32
    %mul3A_1 = arith.constant 6400 : i32
    %mul3A_2 = arith.muli %add3A, %mul3A_1 : i32
    "tpu.region"() ({
      %run_scoped3A = tpu.sem_alloc : memref<!tpu.dma_semaphore, #tpu.memory_space<semaphore_mem>>
      %dma_start3A_62 = arith.constant 0 : i32
      %dma_start3A_63 = arith.constant 0 : i32
      %dma_start3A_64 = tpu.memref_slice %arg3[%add3A, %dma_start3A_62, %dma_start3A_63] : memref<32x64x100xi32, #tpu.memory_space<hbm>> -> memref<1x64x100xi32, #tpu.memory_space<hbm>>
      %dma_start3A_65 = tpu.memref_squeeze %dma_start3A_64 : memref<1x64x100xi32, #tpu.memory_space<hbm>> -> memref<64x100xi32, #tpu.memory_space<hbm>>
      %dma_start3A_66 = arith.constant 0 : i32
      %dma_start3A_67 = arith.constant 0 : i32
      %dma_start3A_68 = tpu.memref_slice %arg3[%add3A, %dma_start3A_66, %dma_start3A_67] : memref<32x64x100xi32, #tpu.memory_space<hbm>> -> memref<1x64x100xi32, #tpu.memory_space<hbm>>
      %dma_start3A_69 = tpu.memref_squeeze %dma_start3A_68 : memref<1x64x100xi32, #tpu.memory_space<hbm>> -> memref<64x100xi32, #tpu.memory_space<hbm>>
      tpu.enqueue_dma source(%dma_start3A_69 : memref<64x100xi32, #tpu.memory_space<hbm>>) target(%arg7 : memref<64x100xi32, #tpu.memory_space<vmem>>) target_semaphore(%run_scoped3A : memref<!tpu.dma_semaphore, #tpu.memory_space<semaphore_mem>>)
      %dma_wait3A = arith.constant 0 : i32
      %dma_wait3A_70 = arith.constant 0 : i32
      %dma_wait3A_71 = tpu.memref_slice %arg3[%add3A, %dma_wait3A, %dma_wait3A_70] : memref<32x64x100xi32, #tpu.memory_space<hbm>> -> memref<1x64x100xi32, #tpu.memory_space<hbm>>
      %dma_wait3A_72 = tpu.memref_squeeze %dma_wait3A_71 : memref<1x64x100xi32, #tpu.memory_space<hbm>> -> memref<64x100xi32, #tpu.memory_space<hbm>>
      %dma_wait3A_73 = arith.constant 0 : i32
      %dma_wait3A_74 = arith.constant 0 : i32
      %dma_wait3A_75 = tpu.memref_slice %arg3[%add3A, %dma_wait3A_73, %dma_wait3A_74] : memref<32x64x100xi32, #tpu.memory_space<hbm>> -> memref<1x64x100xi32, #tpu.memory_space<hbm>>
      %dma_wait3A_76 = tpu.memref_squeeze %dma_wait3A_75 : memref<1x64x100xi32, #tpu.memory_space<hbm>> -> memref<64x100xi32, #tpu.memory_space<hbm>>
      tpu.wait_dma2 semaphore(%run_scoped3A : memref<!tpu.dma_semaphore, #tpu.memory_space<semaphore_mem>>) src(%dma_wait3A_76 : memref<64x100xi32, #tpu.memory_space<hbm>>) dst(%arg7 : memref<64x100xi32, #tpu.memory_space<vmem>>)
      tpu.yield
    }) : () -> ()
    "tpu.region"() ({
      %run_scoped3A = tpu.sem_alloc : memref<!tpu.dma_semaphore, #tpu.memory_space<semaphore_mem>>
      tpu.enqueue_dma source(%arg4 : memref<200x128xf32, #tpu.memory_space<hbm>>) target(%arg6 : memref<200x128xf32, #tpu.memory_space<vmem>>) target_semaphore(%run_scoped3A : memref<!tpu.dma_semaphore, #tpu.memory_space<semaphore_mem>>)
      tpu.wait_dma2 semaphore(%run_scoped3A : memref<!tpu.dma_semaphore, #tpu.memory_space<semaphore_mem>>) src(%arg4 : memref<200x128xf32, #tpu.memory_space<hbm>>) dst(%arg6 : memref<200x128xf32, #tpu.memory_space<vmem>>)
      tpu.yield
    }) : () -> ()
    %scan3A = arith.constant 0 : i32
    %scan3A_3 = arith.constant 0 : i32
    %scan3A_4 = arith.constant 200 : i32
    %scan3A_5 = arith.addi %scan3A_3, %scan3A_4 : i32
    %scan3A_6 = arith.constant 1 : i32
    %scan3A_7 = scf.for %scan3A_62 = %scan3A_3 to %scan3A_5 step %scan3A_6 iter_args(%scan3A_63 = %scan3A) -> (i32)  : i32 {
      %get3A = arith.index_cast %scan3A_62 : i32 to index
      %get3A_64 = arith.constant 0 : index
      %get3A_65 = tpu.vector_load %arg6[%get3A, %get3A_64] {strides = array<i32>} : memref<200x128xf32, #tpu.memory_space<vmem>>, vector<1x16xf32>,
      %get3A_66 = vector.shape_cast %get3A_65 : vector<1x16xf32> to vector<16xf32>
      %swap3A = arith.index_cast %scan3A_62 : i32 to index
      %swap3A_67 = arith.constant 0 : index
      %swap3A_68 = tpu.vector_load %arg8[%swap3A, %swap3A_67] {strides = array<i32>} : memref<200x128xf32, #tpu.memory_space<vmem>>, vector<1x16xf32>,
      %swap3A_69 = vector.shape_cast %swap3A_68 : vector<1x16xf32> to vector<16xf32>
      %swap3A_70 = vector.shape_cast %get3A_66 : vector<16xf32> to vector<1x16xf32>
      tpu.vector_store %arg8[%swap3A, %swap3A_67], %swap3A_70 {strides = array<i32>} : memref<200x128xf32, #tpu.memory_space<vmem>>, vector<1x16xf32>,
      %get3A_71 = arith.index_cast %scan3A_62 : i32 to index
      %get3A_72 = arith.constant 16 : index
      %get3A_73 = tpu.vector_load %arg6[%get3A_71, %get3A_72] {strides = array<i32>} : memref<200x128xf32, #tpu.memory_space<vmem>>, vector<1x16xf32>,
      %get3A_74 = vector.shape_cast %get3A_73 : vector<1x16xf32> to vector<16xf32>
      %swap3A_75 = arith.index_cast %scan3A_62 : i32 to index
      %swap3A_76 = arith.constant 16 : index
      %swap3A_77 = tpu.vector_load %arg8[%swap3A_75, %swap3A_76] {strides = array<i32>} : memref<200x128xf32, #tpu.memory_space<vmem>>, vector<1x16xf32>,
      %swap3A_78 = vector.shape_cast %swap3A_77 : vector<1x16xf32> to vector<16xf32>
      %swap3A_79 = vector.shape_cast %get3A_74 : vector<16xf32> to vector<1x16xf32>
      tpu.vector_store %arg8[%swap3A_75, %swap3A_76], %swap3A_79 {strides = array<i32>} : memref<200x128xf32, #tpu.memory_space<vmem>>, vector<1x16xf32>,
      %get3A_80 = arith.index_cast %scan3A_62 : i32 to index
      %get3A_81 = arith.constant 32 : index
      %get3A_82 = tpu.vector_load %arg6[%get3A_80, %get3A_81] {strides = array<i32>} : memref<200x128xf32, #tpu.memory_space<vmem>>, vector<1x16xf32>,
      %get3A_83 = vector.shape_cast %get3A_82 : vector<1x16xf32> to vector<16xf32>
      %swap3A_84 = arith.index_cast %scan3A_62 : i32 to index
      %swap3A_85 = arith.constant 32 : index
      %swap3A_86 = tpu.vector_load %arg8[%swap3A_84, %swap3A_85] {strides = array<i32>} : memref<200x128xf32, #tpu.memory_space<vmem>>, vector<1x16xf32>,
      %swap3A_87 = vector.shape_cast %swap3A_86 : vector<1x16xf32> to vector<16xf32>
      %swap3A_88 = vector.shape_cast %get3A_83 : vector<16xf32> to vector<1x16xf32>
      tpu.vector_store %arg8[%swap3A_84, %swap3A_85], %swap3A_88 {strides = array<i32>} : memref<200x128xf32, #tpu.memory_space<vmem>>, vector<1x16xf32>,
      %get3A_89 = arith.index_cast %scan3A_62 : i32 to index
      %get3A_90 = arith.constant 48 : index
      %get3A_91 = tpu.vector_load %arg6[%get3A_89, %get3A_90] {strides = array<i32>} : memref<200x128xf32, #tpu.memory_space<vmem>>, vector<1x16xf32>,
      %get3A_92 = vector.shape_cast %get3A_91 : vector<1x16xf32> to vector<16xf32>
      %swap3A_93 = arith.index_cast %scan3A_62 : i32 to index
      %swap3A_94 = arith.constant 48 : index
      %swap3A_95 = tpu.vector_load %arg8[%swap3A_93, %swap3A_94] {strides = array<i32>} : memref<200x128xf32, #tpu.memory_space<vmem>>, vector<1x16xf32>,
      %swap3A_96 = vector.shape_cast %swap3A_95 : vector<1x16xf32> to vector<16xf32>
      %swap3A_97 = vector.shape_cast %get3A_92 : vector<16xf32> to vector<1x16xf32>
      tpu.vector_store %arg8[%swap3A_93, %swap3A_94], %swap3A_97 {strides = array<i32>} : memref<200x128xf32, #tpu.memory_space<vmem>>, vector<1x16xf32>,
      %get3A_98 = arith.index_cast %scan3A_62 : i32 to index
      %get3A_99 = arith.constant 64 : index
      %get3A_100 = tpu.vector_load %arg6[%get3A_98, %get3A_99] {strides = array<i32>} : memref<200x128xf32, #tpu.memory_space<vmem>>, vector<1x16xf32>,
      %get3A_101 = vector.shape_cast %get3A_100 : vector<1x16xf32> to vector<16xf32>
      %swap3A_102 = arith.index_cast %scan3A_62 : i32 to index
      %swap3A_103 = arith.constant 64 : index
      %swap3A_104 = tpu.vector_load %arg8[%swap3A_102, %swap3A_103] {strides = array<i32>} : memref<200x128xf32, #tpu.memory_space<vmem>>, vector<1x16xf32>,
      %swap3A_105 = vector.shape_cast %swap3A_104 : vector<1x16xf32> to vector<16xf32>
      %swap3A_106 = vector.shape_cast %get3A_101 : vector<16xf32> to vector<1x16xf32>
      tpu.vector_store %arg8[%swap3A_102, %swap3A_103], %swap3A_106 {strides = array<i32>} : memref<200x128xf32, #tpu.memory_space<vmem>>, vector<1x16xf32>,
      %get3A_107 = arith.index_cast %scan3A_62 : i32 to index
      %get3A_108 = arith.constant 80 : index
      %get3A_109 = tpu.vector_load %arg6[%get3A_107, %get3A_108] {strides = array<i32>} : memref<200x128xf32, #tpu.memory_space<vmem>>, vector<1x16xf32>,
      %get3A_110 = vector.shape_cast %get3A_109 : vector<1x16xf32> to vector<16xf32>
      %swap3A_111 = arith.index_cast %scan3A_62 : i32 to index
      %swap3A_112 = arith.constant 80 : index
      %swap3A_113 = tpu.vector_load %arg8[%swap3A_111, %swap3A_112] {strides = array<i32>} : memref<200x128xf32, #tpu.memory_space<vmem>>, vector<1x16xf32>,
      %swap3A_114 = vector.shape_cast %swap3A_113 : vector<1x16xf32> to vector<16xf32>
      %swap3A_115 = vector.shape_cast %get3A_110 : vector<16xf32> to vector<1x16xf32>
      tpu.vector_store %arg8[%swap3A_111, %swap3A_112], %swap3A_115 {strides = array<i32>} : memref<200x128xf32, #tpu.memory_space<vmem>>, vector<1x16xf32>,
      %get3A_116 = arith.index_cast %scan3A_62 : i32 to index
      %get3A_117 = arith.constant 96 : index
      %get3A_118 = tpu.vector_load %arg6[%get3A_116, %get3A_117] {strides = array<i32>} : memref<200x128xf32, #tpu.memory_space<vmem>>, vector<1x16xf32>,
      %get3A_119 = vector.shape_cast %get3A_118 : vector<1x16xf32> to vector<16xf32>
      %swap3A_120 = arith.index_cast %scan3A_62 : i32 to index
      %swap3A_121 = arith.constant 96 : index
      %swap3A_122 = tpu.vector_load %arg8[%swap3A_120, %swap3A_121] {strides = array<i32>} : memref<200x128xf32, #tpu.memory_space<vmem>>, vector<1x16xf32>,
      %swap3A_123 = vector.shape_cast %swap3A_122 : vector<1x16xf32> to vector<16xf32>
      %swap3A_124 = vector.shape_cast %get3A_119 : vector<16xf32> to vector<1x16xf32>
      tpu.vector_store %arg8[%swap3A_120, %swap3A_121], %swap3A_124 {strides = array<i32>} : memref<200x128xf32, #tpu.memory_space<vmem>>, vector<1x16xf32>,
      %get3A_125 = arith.index_cast %scan3A_62 : i32 to index
      %get3A_126 = arith.constant 112 : index
      %get3A_127 = tpu.vector_load %arg6[%get3A_125, %get3A_126] {strides = array<i32>} : memref<200x128xf32, #tpu.memory_space<vmem>>, vector<1x16xf32>,
      %get3A_128 = vector.shape_cast %get3A_127 : vector<1x16xf32> to vector<16xf32>
      %swap3A_129 = arith.index_cast %scan3A_62 : i32 to index
      %swap3A_130 = arith.constant 112 : index
      %swap3A_131 = tpu.vector_load %arg8[%swap3A_129, %swap3A_130] {strides = array<i32>} : memref<200x128xf32, #tpu.memory_space<vmem>>, vector<1x16xf32>,
      %swap3A_132 = vector.shape_cast %swap3A_131 : vector<1x16xf32> to vector<16xf32>
      %swap3A_133 = vector.shape_cast %get3A_128 : vector<16xf32> to vector<1x16xf32>
      tpu.vector_store %arg8[%swap3A_129, %swap3A_130], %swap3A_133 {strides = array<i32>} : memref<200x128xf32, #tpu.memory_space<vmem>>, vector<1x16xf32>,
      %scan3A_134 = arith.constant 0 : i32
      scf.yield %scan3A_134 : i32
    }
    %scan3A_8 = arith.constant 200 : i32
    %dma_start3A = arith.constant 0 : i32
    %dma_start3A_9 = arith.constant 0 : i32
    %dma_start3A_10 = arith.constant 0 : i32
    %dma_start3A_11 = tpu.memref_slice %arg8[%dma_start3A_9, %dma_start3A_10] : memref<200x128xf32, #tpu.memory_space<vmem>> -> memref<100x128xf32, #tpu.memory_space<vmem>>
    %dma_start3A_12 = arith.constant 0 : i32
    %dma_start3A_13 = tpu.memref_slice %arg7[%dma_start3A, %dma_start3A_12] : memref<64x100xi32, #tpu.memory_space<vmem>> -> memref<1x100xi32, #tpu.memory_space<vmem>>
    %dma_start3A_14 = tpu.memref_squeeze %dma_start3A_13 : memref<1x100xi32, #tpu.memory_space<vmem>> -> memref<100xi32, #tpu.memory_space<vmem>>
    %dma_start3A_15 = arith.constant 0 : i32
    %dma_start3A_16 = arith.constant 0 : i32
    %dma_start3A_17 = tpu.memref_slice %arg2[%dma_start3A_15, %dma_start3A_16] : memref<1000000x128xf32, #tpu.memory_space<hbm>> -> memref<1000000x128xf32, #tpu.memory_space<hbm>>
    tpu.enqueue_indirect_dma source(%dma_start3A_17 : memref<1000000x128xf32, #tpu.memory_space<hbm>>) target(%dma_start3A_11 : memref<100x128xf32, #tpu.memory_space<vmem>>) offsets(%dma_start3A_14 : memref<100xi32, #tpu.memory_space<vmem>>) semaphore(%arg10 : memref<!tpu.dma_semaphore, #tpu.memory_space<semaphore_mem>>) {add = true}
    %dma_start3A_18 = arith.constant 1 : i32
    %dma_start3A_19 = arith.constant 100 : i32
    %dma_start3A_20 = arith.constant 0 : i32
    %dma_start3A_21 = tpu.memref_slice %arg8[%dma_start3A_19, %dma_start3A_20] : memref<200x128xf32, #tpu.memory_space<vmem>> -> memref<100x128xf32, #tpu.memory_space<vmem>>
    %dma_start3A_22 = arith.constant 0 : i32
    %dma_start3A_23 = tpu.memref_slice %arg7[%dma_start3A_18, %dma_start3A_22] : memref<64x100xi32, #tpu.memory_space<vmem>> -> memref<1x100xi32, #tpu.memory_space<vmem>>
    %dma_start3A_24 = tpu.memref_squeeze %dma_start3A_23 : memref<1x100xi32, #tpu.memory_space<vmem>> -> memref<100xi32, #tpu.memory_space<vmem>>
    %dma_start3A_25 = arith.constant 0 : i32
    %dma_start3A_26 = arith.constant 0 : i32
    %dma_start3A_27 = tpu.memref_slice %arg2[%dma_start3A_25, %dma_start3A_26] : memref<1000000x128xf32, #tpu.memory_space<hbm>> -> memref<1000000x128xf32, #tpu.memory_space<hbm>>
    tpu.enqueue_indirect_dma source(%dma_start3A_27 : memref<1000000x128xf32, #tpu.memory_space<hbm>>) target(%dma_start3A_21 : memref<100x128xf32, #tpu.memory_space<vmem>>) offsets(%dma_start3A_24 : memref<100xi32, #tpu.memory_space<vmem>>) semaphore(%arg10 : memref<!tpu.dma_semaphore, #tpu.memory_space<semaphore_mem>>) {add = true}
    %scan3A_28 = arith.constant 0 : i32
    %scan3A_29 = arith.constant 0 : i32
    %scan3A_30 = arith.constant 200 : i32
    %scan3A_31 = arith.addi %scan3A_29, %scan3A_30 : i32
    %scan3A_32 = arith.constant 1 : i32
    %scan3A_33 = scf.for %scan3A_62 = %scan3A_29 to %scan3A_31 step %scan3A_32 iter_args(%scan3A_63 = %scan3A_28) -> (i32)  : i32 {
      %get3A = arith.index_cast %scan3A_62 : i32 to index
      %get3A_64 = arith.constant 0 : index
      %get3A_65 = tpu.vector_load %arg6[%get3A, %get3A_64] {strides = array<i32>} : memref<200x128xf32, #tpu.memory_space<vmem>>, vector<1x16xf32>,
      %get3A_66 = vector.shape_cast %get3A_65 : vector<1x16xf32> to vector<16xf32>
      %swap3A = arith.index_cast %scan3A_62 : i32 to index
      %swap3A_67 = arith.constant 0 : index
      %swap3A_68 = tpu.vector_load %arg9[%swap3A, %swap3A_67] {strides = array<i32>} : memref<200x128xf32, #tpu.memory_space<vmem>>, vector<1x16xf32>,
      %swap3A_69 = vector.shape_cast %swap3A_68 : vector<1x16xf32> to vector<16xf32>
      %swap3A_70 = vector.shape_cast %get3A_66 : vector<16xf32> to vector<1x16xf32>
      tpu.vector_store %arg9[%swap3A, %swap3A_67], %swap3A_70 {strides = array<i32>} : memref<200x128xf32, #tpu.memory_space<vmem>>, vector<1x16xf32>,
      %get3A_71 = arith.index_cast %scan3A_62 : i32 to index
      %get3A_72 = arith.constant 16 : index
      %get3A_73 = tpu.vector_load %arg6[%get3A_71, %get3A_72] {strides = array<i32>} : memref<200x128xf32, #tpu.memory_space<vmem>>, vector<1x16xf32>,
      %get3A_74 = vector.shape_cast %get3A_73 : vector<1x16xf32> to vector<16xf32>
      %swap3A_75 = arith.index_cast %scan3A_62 : i32 to index
      %swap3A_76 = arith.constant 16 : index
      %swap3A_77 = tpu.vector_load %arg9[%swap3A_75, %swap3A_76] {strides = array<i32>} : memref<200x128xf32, #tpu.memory_space<vmem>>, vector<1x16xf32>,
      %swap3A_78 = vector.shape_cast %swap3A_77 : vector<1x16xf32> to vector<16xf32>
      %swap3A_79 = vector.shape_cast %get3A_74 : vector<16xf32> to vector<1x16xf32>
      tpu.vector_store %arg9[%swap3A_75, %swap3A_76], %swap3A_79 {strides = array<i32>} : memref<200x128xf32, #tpu.memory_space<vmem>>, vector<1x16xf32>,
      %get3A_80 = arith.index_cast %scan3A_62 : i32 to index
      %get3A_81 = arith.constant 32 : index
      %get3A_82 = tpu.vector_load %arg6[%get3A_80, %get3A_81] {strides = array<i32>} : memref<200x128xf32, #tpu.memory_space<vmem>>, vector<1x16xf32>,
      %get3A_83 = vector.shape_cast %get3A_82 : vector<1x16xf32> to vector<16xf32>
      %swap3A_84 = arith.index_cast %scan3A_62 : i32 to index
      %swap3A_85 = arith.constant 32 : index
      %swap3A_86 = tpu.vector_load %arg9[%swap3A_84, %swap3A_85] {strides = array<i32>} : memref<200x128xf32, #tpu.memory_space<vmem>>, vector<1x16xf32>,
      %swap3A_87 = vector.shape_cast %swap3A_86 : vector<1x16xf32> to vector<16xf32>
      %swap3A_88 = vector.shape_cast %get3A_83 : vector<16xf32> to vector<1x16xf32>
      tpu.vector_store %arg9[%swap3A_84, %swap3A_85], %swap3A_88 {strides = array<i32>} : memref<200x128xf32, #tpu.memory_space<vmem>>, vector<1x16xf32>,
      %get3A_89 = arith.index_cast %scan3A_62 : i32 to index
      %get3A_90 = arith.constant 48 : index
      %get3A_91 = tpu.vector_load %arg6[%get3A_89, %get3A_90] {strides = array<i32>} : memref<200x128xf32, #tpu.memory_space<vmem>>, vector<1x16xf32>,
      %get3A_92 = vector.shape_cast %get3A_91 : vector<1x16xf32> to vector<16xf32>
      %swap3A_93 = arith.index_cast %scan3A_62 : i32 to index
      %swap3A_94 = arith.constant 48 : index
      %swap3A_95 = tpu.vector_load %arg9[%swap3A_93, %swap3A_94] {strides = array<i32>} : memref<200x128xf32, #tpu.memory_space<vmem>>, vector<1x16xf32>,
      %swap3A_96 = vector.shape_cast %swap3A_95 : vector<1x16xf32> to vector<16xf32>
      %swap3A_97 = vector.shape_cast %get3A_92 : vector<16xf32> to vector<1x16xf32>
      tpu.vector_store %arg9[%swap3A_93, %swap3A_94], %swap3A_97 {strides = array<i32>} : memref<200x128xf32, #tpu.memory_space<vmem>>, vector<1x16xf32>,
      %get3A_98 = arith.index_cast %scan3A_62 : i32 to index
      %get3A_99 = arith.constant 64 : index
      %get3A_100 = tpu.vector_load %arg6[%get3A_98, %get3A_99] {strides = array<i32>} : memref<200x128xf32, #tpu.memory_space<vmem>>, vector<1x16xf32>,
      %get3A_101 = vector.shape_cast %get3A_100 : vector<1x16xf32> to vector<16xf32>
      %swap3A_102 = arith.index_cast %scan3A_62 : i32 to index
      %swap3A_103 = arith.constant 64 : index
      %swap3A_104 = tpu.vector_load %arg9[%swap3A_102, %swap3A_103] {strides = array<i32>} : memref<200x128xf32, #tpu.memory_space<vmem>>, vector<1x16xf32>,
      %swap3A_105 = vector.shape_cast %swap3A_104 : vector<1x16xf32> to vector<16xf32>
      %swap3A_106 = vector.shape_cast %get3A_101 : vector<16xf32> to vector<1x16xf32>
      tpu.vector_store %arg9[%swap3A_102, %swap3A_103], %swap3A_106 {strides = array<i32>} : memref<200x128xf32, #tpu.memory_space<vmem>>, vector<1x16xf32>,
      %get3A_107 = arith.index_cast %scan3A_62 : i32 to index
      %get3A_108 = arith.constant 80 : index
      %get3A_109 = tpu.vector_load %arg6[%get3A_107, %get3A_108] {strides = array<i32>} : memref<200x128xf32, #tpu.memory_space<vmem>>, vector<1x16xf32>,
      %get3A_110 = vector.shape_cast %get3A_109 : vector<1x16xf32> to vector<16xf32>
      %swap3A_111 = arith.index_cast %scan3A_62 : i32 to index
      %swap3A_112 = arith.constant 80 : index
      %swap3A_113 = tpu.vector_load %arg9[%swap3A_111, %swap3A_112] {strides = array<i32>} : memref<200x128xf32, #tpu.memory_space<vmem>>, vector<1x16xf32>,
      %swap3A_114 = vector.shape_cast %swap3A_113 : vector<1x16xf32> to vector<16xf32>
      %swap3A_115 = vector.shape_cast %get3A_110 : vector<16xf32> to vector<1x16xf32>
      tpu.vector_store %arg9[%swap3A_111, %swap3A_112], %swap3A_115 {strides = array<i32>} : memref<200x128xf32, #tpu.memory_space<vmem>>, vector<1x16xf32>,
      %get3A_116 = arith.index_cast %scan3A_62 : i32 to index
      %get3A_117 = arith.constant 96 : index
      %get3A_118 = tpu.vector_load %arg6[%get3A_116, %get3A_117] {strides = array<i32>} : memref<200x128xf32, #tpu.memory_space<vmem>>, vector<1x16xf32>,
      %get3A_119 = vector.shape_cast %get3A_118 : vector<1x16xf32> to vector<16xf32>
      %swap3A_120 = arith.index_cast %scan3A_62 : i32 to index
      %swap3A_121 = arith.constant 96 : index
      %swap3A_122 = tpu.vector_load %arg9[%swap3A_120, %swap3A_121] {strides = array<i32>} : memref<200x128xf32, #tpu.memory_space<vmem>>, vector<1x16xf32>,
      %swap3A_123 = vector.shape_cast %swap3A_122 : vector<1x16xf32> to vector<16xf32>
      %swap3A_124 = vector.shape_cast %get3A_119 : vector<16xf32> to vector<1x16xf32>
      tpu.vector_store %arg9[%swap3A_120, %swap3A_121], %swap3A_124 {strides = array<i32>} : memref<200x128xf32, #tpu.memory_space<vmem>>, vector<1x16xf32>,
      %get3A_125 = arith.index_cast %scan3A_62 : i32 to index
      %get3A_126 = arith.constant 112 : index
      %get3A_127 = tpu.vector_load %arg6[%get3A_125, %get3A_126] {strides = array<i32>} : memref<200x128xf32, #tpu.memory_space<vmem>>, vector<1x16xf32>,
      %get3A_128 = vector.shape_cast %get3A_127 : vector<1x16xf32> to vector<16xf32>
      %swap3A_129 = arith.index_cast %scan3A_62 : i32 to index
      %swap3A_130 = arith.constant 112 : index
      %swap3A_131 = tpu.vector_load %arg9[%swap3A_129, %swap3A_130] {strides = array<i32>} : memref<200x128xf32, #tpu.memory_space<vmem>>, vector<1x16xf32>,
      %swap3A_132 = vector.shape_cast %swap3A_131 : vector<1x16xf32> to vector<16xf32>
      %swap3A_133 = vector.shape_cast %get3A_128 : vector<16xf32> to vector<1x16xf32>
      tpu.vector_store %arg9[%swap3A_129, %swap3A_130], %swap3A_133 {strides = array<i32>} : memref<200x128xf32, #tpu.memory_space<vmem>>, vector<1x16xf32>,
      %scan3A_134 = arith.constant 0 : i32
      scf.yield %scan3A_134 : i32
    }
    %scan3A_34 = arith.constant 200 : i32
    %dma_start3A_35 = arith.constant 2 : i32
    %dma_start3A_36 = arith.constant 0 : i32
    %dma_start3A_37 = arith.constant 0 : i32
    %dma_start3A_38 = tpu.memref_slice %arg9[%dma_start3A_36, %dma_start3A_37] : memref<200x128xf32, #tpu.memory_space<vmem>> -> memref<100x128xf32, #tpu.memory_space<vmem>>
    %dma_start3A_39 = arith.constant 0 : i32
    %dma_start3A_40 = tpu.memref_slice %arg7[%dma_start3A_35, %dma_start3A_39] : memref<64x100xi32, #tpu.memory_space<vmem>> -> memref<1x100xi32, #tpu.memory_space<vmem>>
    %dma_start3A_41 = tpu.memref_squeeze %dma_start3A_40 : memref<1x100xi32, #tpu.memory_space<vmem>> -> memref<100xi32, #tpu.memory_space<vmem>>
    %dma_start3A_42 = arith.constant 0 : i32
    %dma_start3A_43 = arith.constant 0 : i32
    %dma_start3A_44 = tpu.memref_slice %arg2[%dma_start3A_42, %dma_start3A_43] : memref<1000000x128xf32, #tpu.memory_space<hbm>> -> memref<1000000x128xf32, #tpu.memory_space<hbm>>
    tpu.enqueue_indirect_dma source(%dma_start3A_44 : memref<1000000x128xf32, #tpu.memory_space<hbm>>) target(%dma_start3A_38 : memref<100x128xf32, #tpu.memory_space<vmem>>) offsets(%dma_start3A_41 : memref<100xi32, #tpu.memory_space<vmem>>) semaphore(%arg11 : memref<!tpu.dma_semaphore, #tpu.memory_space<semaphore_mem>>) {add = true}
    %dma_start3A_45 = arith.constant 3 : i32
    %dma_start3A_46 = arith.constant 100 : i32
    %dma_start3A_47 = arith.constant 0 : i32
    %dma_start3A_48 = tpu.memref_slice %arg9[%dma_start3A_46, %dma_start3A_47] : memref<200x128xf32, #tpu.memory_space<vmem>> -> memref<100x128xf32, #tpu.memory_space<vmem>>
    %dma_start3A_49 = arith.constant 0 : i32
    %dma_start3A_50 = tpu.memref_slice %arg7[%dma_start3A_45, %dma_start3A_49] : memref<64x100xi32, #tpu.memory_space<vmem>> -> memref<1x100xi32, #tpu.memory_space<vmem>>
    %dma_start3A_51 = tpu.memref_squeeze %dma_start3A_50 : memref<1x100xi32, #tpu.memory_space<vmem>> -> memref<100xi32, #tpu.memory_space<vmem>>
    %dma_start3A_52 = arith.constant 0 : i32
    %dma_start3A_53 = arith.constant 0 : i32
    %dma_start3A_54 = tpu.memref_slice %arg2[%dma_start3A_52, %dma_start3A_53] : memref<1000000x128xf32, #tpu.memory_space<hbm>> -> memref<1000000x128xf32, #tpu.memory_space<hbm>>
    tpu.enqueue_indirect_dma source(%dma_start3A_54 : memref<1000000x128xf32, #tpu.memory_space<hbm>>) target(%dma_start3A_48 : memref<100x128xf32, #tpu.memory_space<vmem>>) offsets(%dma_start3A_51 : memref<100xi32, #tpu.memory_space<vmem>>) semaphore(%arg11 : memref<!tpu.dma_semaphore, #tpu.memory_space<semaphore_mem>>) {add = true}
    %scan3A_55 = arith.constant 0 : i32
    %scan3A_56 = arith.constant 0 : i32
    %scan3A_57 = arith.constant 16 : i32
    %scan3A_58 = arith.addi %scan3A_56, %scan3A_57 : i32
    %scan3A_59 = arith.constant 1 : i32
    %scan3A_60 = scf.for %scan3A_62 = %scan3A_56 to %scan3A_58 step %scan3A_59 iter_args(%scan3A_63 = %scan3A_55) -> (i32)  : i32 {
      %mul3A_64 = arith.constant 2 : i32
      %mul3A_65 = arith.muli %mul3A_64, %scan3A_62 : i32
      %add3A_66 = arith.constant 1 : i32
      %add3A_67 = arith.addi %mul3A_65, %add3A_66 : i32
      %mul3A_68 = arith.constant 2 : i32
      %mul3A_69 = arith.muli %mul3A_65, %mul3A_68 : i32
      %add3A_70 = arith.constant 0 : i32
      %add3A_71 = arith.addi %mul3A_69, %add3A_70 : i32
      %dma_wait3A = arith.constant 0 : i32
      %dma_wait3A_72 = arith.constant 0 : i32
      %dma_wait3A_73 = tpu.memref_slice %arg8[%dma_wait3A, %dma_wait3A_72] : memref<200x128xf32, #tpu.memory_space<vmem>> -> memref<100x128xf32, #tpu.memory_space<vmem>>
      %dma_wait3A_74 = arith.constant 0 : i32
      %dma_wait3A_75 = tpu.memref_slice %arg7[%add3A_71, %dma_wait3A_74] : memref<64x100xi32, #tpu.memory_space<vmem>> -> memref<1x100xi32, #tpu.memory_space<vmem>>
      %dma_wait3A_76 = tpu.memref_squeeze %dma_wait3A_75 : memref<1x100xi32, #tpu.memory_space<vmem>> -> memref<100xi32, #tpu.memory_space<vmem>>
      %dma_wait3A_77 = arith.constant 0 : i32
      %dma_wait3A_78 = arith.constant 0 : i32
      %dma_wait3A_79 = tpu.memref_slice %arg2[%dma_wait3A_77, %dma_wait3A_78] : memref<1000000x128xf32, #tpu.memory_space<hbm>> -> memref<1000000x128xf32, #tpu.memory_space<hbm>>
      tpu.wait_indirect_dma semaphore(%arg10 : memref<!tpu.dma_semaphore, #tpu.memory_space<semaphore_mem>>) src(%dma_wait3A_79 : memref<1000000x128xf32, #tpu.memory_space<hbm>>) dst(%dma_wait3A_73 : memref<100x128xf32, #tpu.memory_space<vmem>>)
      %mul3A_80 = arith.constant 2 : i32
      %mul3A_81 = arith.muli %mul3A_65, %mul3A_80 : i32
      %add3A_82 = arith.constant 1 : i32
      %add3A_83 = arith.addi %mul3A_81, %add3A_82 : i32
      %dma_wait3A_84 = arith.constant 100 : i32
      %dma_wait3A_85 = arith.constant 0 : i32
      %dma_wait3A_86 = tpu.memref_slice %arg8[%dma_wait3A_84, %dma_wait3A_85] : memref<200x128xf32, #tpu.memory_space<vmem>> -> memref<100x128xf32, #tpu.memory_space<vmem>>
      %dma_wait3A_87 = arith.constant 0 : i32
      %dma_wait3A_88 = tpu.memref_slice %arg7[%add3A_83, %dma_wait3A_87] : memref<64x100xi32, #tpu.memory_space<vmem>> -> memref<1x100xi32, #tpu.memory_space<vmem>>
      %dma_wait3A_89 = tpu.memref_squeeze %dma_wait3A_88 : memref<1x100xi32, #tpu.memory_space<vmem>> -> memref<100xi32, #tpu.memory_space<vmem>>
      %dma_wait3A_90 = arith.constant 0 : i32
      %dma_wait3A_91 = arith.constant 0 : i32
      %dma_wait3A_92 = tpu.memref_slice %arg2[%dma_wait3A_90, %dma_wait3A_91] : memref<1000000x128xf32, #tpu.memory_space<hbm>> -> memref<1000000x128xf32, #tpu.memory_space<hbm>>
      tpu.wait_indirect_dma semaphore(%arg10 : memref<!tpu.dma_semaphore, #tpu.memory_space<semaphore_mem>>) src(%dma_wait3A_92 : memref<1000000x128xf32, #tpu.memory_space<hbm>>) dst(%dma_wait3A_86 : memref<100x128xf32, #tpu.memory_space<vmem>>)
      %mul3A_93 = arith.constant 200 : i32
      %mul3A_94 = arith.muli %mul3A_65, %mul3A_93 : i32
      %add3A_95 = arith.addi %mul3A_2, %mul3A_94 : i32
      %dma_start3A_96 = arith.constant 0 : i32
      %dma_start3A_97 = tpu.memref_slice %arg5[%add3A_95, %dma_start3A_96] : memref<204800x128xf32, #tpu.memory_space<hbm>> -> memref<200x128xf32, #tpu.memory_space<hbm>>
      %dma_start3A_98 = arith.constant 0 : i32
      %dma_start3A_99 = tpu.memref_slice %arg5[%add3A_95, %dma_start3A_98] : memref<204800x128xf32, #tpu.memory_space<hbm>> -> memref<200x128xf32, #tpu.memory_space<hbm>>
      tpu.enqueue_dma source(%arg8 : memref<200x128xf32, #tpu.memory_space<vmem>>) target(%dma_start3A_99 : memref<200x128xf32, #tpu.memory_space<hbm>>) target_semaphore(%arg12 : memref<!tpu.dma_semaphore, #tpu.memory_space<semaphore_mem>>)
      %mul3A_100 = arith.constant 200 : i32
      %mul3A_101 = arith.muli %mul3A_65, %mul3A_100 : i32
      %add3A_102 = arith.addi %mul3A_2, %mul3A_101 : i32
      %dma_wait3A_103 = arith.constant 0 : i32
      %dma_wait3A_104 = tpu.memref_slice %arg5[%add3A_102, %dma_wait3A_103] : memref<204800x128xf32, #tpu.memory_space<hbm>> -> memref<200x128xf32, #tpu.memory_space<hbm>>
      %dma_wait3A_105 = arith.constant 0 : i32
      %dma_wait3A_106 = tpu.memref_slice %arg5[%add3A_102, %dma_wait3A_105] : memref<204800x128xf32, #tpu.memory_space<hbm>> -> memref<200x128xf32, #tpu.memory_space<hbm>>
      tpu.wait_dma2 semaphore(%arg12 : memref<!tpu.dma_semaphore, #tpu.memory_space<semaphore_mem>>) src(%arg8 : memref<200x128xf32, #tpu.memory_space<vmem>>) dst(%dma_wait3A_106 : memref<200x128xf32, #tpu.memory_space<hbm>>)
      %lt3A = arith.constant 15 : i32
      %lt3A_107 = arith.cmpi slt, %scan3A_62, %lt3A : i32
      %convert_element_type3A = arith.extui %lt3A_107 : i1 to i32
      %cond3A = arith.constant 0 : i32
      %cond3A_108 = arith.cmpi ne, %convert_element_type3A, %cond3A : i32
      scf.if %cond3A_108 {
        %scan3A_155 = arith.constant 0 : i32
        %scan3A_156 = arith.constant 0 : i32
        %scan3A_157 = arith.constant 200 : i32
        %scan3A_158 = arith.addi %scan3A_156, %scan3A_157 : i32
        %scan3A_159 = arith.constant 1 : i32
        %scan3A_160 = scf.for %scan3A_190 = %scan3A_156 to %scan3A_158 step %scan3A_159 iter_args(%scan3A_191 = %scan3A_155) -> (i32)  : i32 {
          %get3A = arith.index_cast %scan3A_190 : i32 to index
          %get3A_192 = arith.constant 0 : index
          %get3A_193 = tpu.vector_load %arg6[%get3A, %get3A_192] {strides = array<i32>} : memref<200x128xf32, #tpu.memory_space<vmem>>, vector<1x16xf32>,
          %get3A_194 = vector.shape_cast %get3A_193 : vector<1x16xf32> to vector<16xf32>
          %swap3A = arith.index_cast %scan3A_190 : i32 to index
          %swap3A_195 = arith.constant 0 : index
          %swap3A_196 = tpu.vector_load %arg8[%swap3A, %swap3A_195] {strides = array<i32>} : memref<200x128xf32, #tpu.memory_space<vmem>>, vector<1x16xf32>,
          %swap3A_197 = vector.shape_cast %swap3A_196 : vector<1x16xf32> to vector<16xf32>
          %swap3A_198 = vector.shape_cast %get3A_194 : vector<16xf32> to vector<1x16xf32>
          tpu.vector_store %arg8[%swap3A, %swap3A_195], %swap3A_198 {strides = array<i32>} : memref<200x128xf32, #tpu.memory_space<vmem>>, vector<1x16xf32>,
          %get3A_199 = arith.index_cast %scan3A_190 : i32 to index
          %get3A_200 = arith.constant 16 : index
          %get3A_201 = tpu.vector_load %arg6[%get3A_199, %get3A_200] {strides = array<i32>} : memref<200x128xf32, #tpu.memory_space<vmem>>, vector<1x16xf32>,
          %get3A_202 = vector.shape_cast %get3A_201 : vector<1x16xf32> to vector<16xf32>
          %swap3A_203 = arith.index_cast %scan3A_190 : i32 to index
          %swap3A_204 = arith.constant 16 : index
          %swap3A_205 = tpu.vector_load %arg8[%swap3A_203, %swap3A_204] {strides = array<i32>} : memref<200x128xf32, #tpu.memory_space<vmem>>, vector<1x16xf32>,
          %swap3A_206 = vector.shape_cast %swap3A_205 : vector<1x16xf32> to vector<16xf32>
          %swap3A_207 = vector.shape_cast %get3A_202 : vector<16xf32> to vector<1x16xf32>
          tpu.vector_store %arg8[%swap3A_203, %swap3A_204], %swap3A_207 {strides = array<i32>} : memref<200x128xf32, #tpu.memory_space<vmem>>, vector<1x16xf32>,
          %get3A_208 = arith.index_cast %scan3A_190 : i32 to index
          %get3A_209 = arith.constant 32 : index
          %get3A_210 = tpu.vector_load %arg6[%get3A_208, %get3A_209] {strides = array<i32>} : memref<200x128xf32, #tpu.memory_space<vmem>>, vector<1x16xf32>,
          %get3A_211 = vector.shape_cast %get3A_210 : vector<1x16xf32> to vector<16xf32>
          %swap3A_212 = arith.index_cast %scan3A_190 : i32 to index
          %swap3A_213 = arith.constant 32 : index
          %swap3A_214 = tpu.vector_load %arg8[%swap3A_212, %swap3A_213] {strides = array<i32>} : memref<200x128xf32, #tpu.memory_space<vmem>>, vector<1x16xf32>,
          %swap3A_215 = vector.shape_cast %swap3A_214 : vector<1x16xf32> to vector<16xf32>
          %swap3A_216 = vector.shape_cast %get3A_211 : vector<16xf32> to vector<1x16xf32>
          tpu.vector_store %arg8[%swap3A_212, %swap3A_213], %swap3A_216 {strides = array<i32>} : memref<200x128xf32, #tpu.memory_space<vmem>>, vector<1x16xf32>,
          %get3A_217 = arith.index_cast %scan3A_190 : i32 to index
          %get3A_218 = arith.constant 48 : index
          %get3A_219 = tpu.vector_load %arg6[%get3A_217, %get3A_218] {strides = array<i32>} : memref<200x128xf32, #tpu.memory_space<vmem>>, vector<1x16xf32>,
          %get3A_220 = vector.shape_cast %get3A_219 : vector<1x16xf32> to vector<16xf32>
          %swap3A_221 = arith.index_cast %scan3A_190 : i32 to index
          %swap3A_222 = arith.constant 48 : index
          %swap3A_223 = tpu.vector_load %arg8[%swap3A_221, %swap3A_222] {strides = array<i32>} : memref<200x128xf32, #tpu.memory_space<vmem>>, vector<1x16xf32>,
          %swap3A_224 = vector.shape_cast %swap3A_223 : vector<1x16xf32> to vector<16xf32>
          %swap3A_225 = vector.shape_cast %get3A_220 : vector<16xf32> to vector<1x16xf32>
          tpu.vector_store %arg8[%swap3A_221, %swap3A_222], %swap3A_225 {strides = array<i32>} : memref<200x128xf32, #tpu.memory_space<vmem>>, vector<1x16xf32>,
          %get3A_226 = arith.index_cast %scan3A_190 : i32 to index
          %get3A_227 = arith.constant 64 : index
          %get3A_228 = tpu.vector_load %arg6[%get3A_226, %get3A_227] {strides = array<i32>} : memref<200x128xf32, #tpu.memory_space<vmem>>, vector<1x16xf32>,
          %get3A_229 = vector.shape_cast %get3A_228 : vector<1x16xf32> to vector<16xf32>
          %swap3A_230 = arith.index_cast %scan3A_190 : i32 to index
          %swap3A_231 = arith.constant 64 : index
          %swap3A_232 = tpu.vector_load %arg8[%swap3A_230, %swap3A_231] {strides = array<i32>} : memref<200x128xf32, #tpu.memory_space<vmem>>, vector<1x16xf32>,
          %swap3A_233 = vector.shape_cast %swap3A_232 : vector<1x16xf32> to vector<16xf32>
          %swap3A_234 = vector.shape_cast %get3A_229 : vector<16xf32> to vector<1x16xf32>
          tpu.vector_store %arg8[%swap3A_230, %swap3A_231], %swap3A_234 {strides = array<i32>} : memref<200x128xf32, #tpu.memory_space<vmem>>, vector<1x16xf32>,
          %get3A_235 = arith.index_cast %scan3A_190 : i32 to index
          %get3A_236 = arith.constant 80 : index
          %get3A_237 = tpu.vector_load %arg6[%get3A_235, %get3A_236] {strides = array<i32>} : memref<200x128xf32, #tpu.memory_space<vmem>>, vector<1x16xf32>,
          %get3A_238 = vector.shape_cast %get3A_237 : vector<1x16xf32> to vector<16xf32>
          %swap3A_239 = arith.index_cast %scan3A_190 : i32 to index
          %swap3A_240 = arith.constant 80 : index
          %swap3A_241 = tpu.vector_load %arg8[%swap3A_239, %swap3A_240] {strides = array<i32>} : memref<200x128xf32, #tpu.memory_space<vmem>>, vector<1x16xf32>,
          %swap3A_242 = vector.shape_cast %swap3A_241 : vector<1x16xf32> to vector<16xf32>
          %swap3A_243 = vector.shape_cast %get3A_238 : vector<16xf32> to vector<1x16xf32>
          tpu.vector_store %arg8[%swap3A_239, %swap3A_240], %swap3A_243 {strides = array<i32>} : memref<200x128xf32, #tpu.memory_space<vmem>>, vector<1x16xf32>,
          %get3A_244 = arith.index_cast %scan3A_190 : i32 to index
          %get3A_245 = arith.constant 96 : index
          %get3A_246 = tpu.vector_load %arg6[%get3A_244, %get3A_245] {strides = array<i32>} : memref<200x128xf32, #tpu.memory_space<vmem>>, vector<1x16xf32>,
          %get3A_247 = vector.shape_cast %get3A_246 : vector<1x16xf32> to vector<16xf32>
          %swap3A_248 = arith.index_cast %scan3A_190 : i32 to index
          %swap3A_249 = arith.constant 96 : index
          %swap3A_250 = tpu.vector_load %arg8[%swap3A_248, %swap3A_249] {strides = array<i32>} : memref<200x128xf32, #tpu.memory_space<vmem>>, vector<1x16xf32>,
          %swap3A_251 = vector.shape_cast %swap3A_250 : vector<1x16xf32> to vector<16xf32>
          %swap3A_252 = vector.shape_cast %get3A_247 : vector<16xf32> to vector<1x16xf32>
          tpu.vector_store %arg8[%swap3A_248, %swap3A_249], %swap3A_252 {strides = array<i32>} : memref<200x128xf32, #tpu.memory_space<vmem>>, vector<1x16xf32>,
          %get3A_253 = arith.index_cast %scan3A_190 : i32 to index
          %get3A_254 = arith.constant 112 : index
          %get3A_255 = tpu.vector_load %arg6[%get3A_253, %get3A_254] {strides = array<i32>} : memref<200x128xf32, #tpu.memory_space<vmem>>, vector<1x16xf32>,
          %get3A_256 = vector.shape_cast %get3A_255 : vector<1x16xf32> to vector<16xf32>
          %swap3A_257 = arith.index_cast %scan3A_190 : i32 to index
          %swap3A_258 = arith.constant 112 : index
          %swap3A_259 = tpu.vector_load %arg8[%swap3A_257, %swap3A_258] {strides = array<i32>} : memref<200x128xf32, #tpu.memory_space<vmem>>, vector<1x16xf32>,
          %swap3A_260 = vector.shape_cast %swap3A_259 : vector<1x16xf32> to vector<16xf32>
          %swap3A_261 = vector.shape_cast %get3A_256 : vector<16xf32> to vector<1x16xf32>
          tpu.vector_store %arg8[%swap3A_257, %swap3A_258], %swap3A_261 {strides = array<i32>} : memref<200x128xf32, #tpu.memory_space<vmem>>, vector<1x16xf32>,
          %scan3A_262 = arith.constant 0 : i32
          scf.yield %scan3A_262 : i32
        }
        %scan3A_161 = arith.constant 200 : i32
        %add3A_162 = arith.constant 2 : i32
        %add3A_163 = arith.addi %mul3A_65, %add3A_162 : i32
        %mul3A_164 = arith.constant 2 : i32
        %mul3A_165 = arith.muli %add3A_163, %mul3A_164 : i32
        %add3A_166 = arith.constant 0 : i32
        %add3A_167 = arith.addi %mul3A_165, %add3A_166 : i32
        %dma_start3A_168 = arith.constant 0 : i32
        %dma_start3A_169 = arith.constant 0 : i32
        %dma_start3A_170 = tpu.memref_slice %arg8[%dma_start3A_168, %dma_start3A_169] : memref<200x128xf32, #tpu.memory_space<vmem>> -> memref<100x128xf32, #tpu.memory_space<vmem>>
        %dma_start3A_171 = arith.constant 0 : i32
        %dma_start3A_172 = tpu.memref_slice %arg7[%add3A_167, %dma_start3A_171] : memref<64x100xi32, #tpu.memory_space<vmem>> -> memref<1x100xi32, #tpu.memory_space<vmem>>
        %dma_start3A_173 = tpu.memref_squeeze %dma_start3A_172 : memref<1x100xi32, #tpu.memory_space<vmem>> -> memref<100xi32, #tpu.memory_space<vmem>>
        %dma_start3A_174 = arith.constant 0 : i32
        %dma_start3A_175 = arith.constant 0 : i32
        %dma_start3A_176 = tpu.memref_slice %arg2[%dma_start3A_174, %dma_start3A_175] : memref<1000000x128xf32, #tpu.memory_space<hbm>> -> memref<1000000x128xf32, #tpu.memory_space<hbm>>
        tpu.enqueue_indirect_dma source(%dma_start3A_176 : memref<1000000x128xf32, #tpu.memory_space<hbm>>) target(%dma_start3A_170 : memref<100x128xf32, #tpu.memory_space<vmem>>) offsets(%dma_start3A_173 : memref<100xi32, #tpu.memory_space<vmem>>) semaphore(%arg10 : memref<!tpu.dma_semaphore, #tpu.memory_space<semaphore_mem>>) {add = true}
        %mul3A_177 = arith.constant 2 : i32
        %mul3A_178 = arith.muli %add3A_163, %mul3A_177 : i32
        %add3A_179 = arith.constant 1 : i32
        %add3A_180 = arith.addi %mul3A_178, %add3A_179 : i32
        %dma_start3A_181 = arith.constant 100 : i32
        %dma_start3A_182 = arith.constant 0 : i32
        %dma_start3A_183 = tpu.memref_slice %arg8[%dma_start3A_181, %dma_start3A_182] : memref<200x128xf32, #tpu.memory_space<vmem>> -> memref<100x128xf32, #tpu.memory_space<vmem>>
        %dma_start3A_184 = arith.constant 0 : i32
        %dma_start3A_185 = tpu.memref_slice %arg7[%add3A_180, %dma_start3A_184] : memref<64x100xi32, #tpu.memory_space<vmem>> -> memref<1x100xi32, #tpu.memory_space<vmem>>
        %dma_start3A_186 = tpu.memref_squeeze %dma_start3A_185 : memref<1x100xi32, #tpu.memory_space<vmem>> -> memref<100xi32, #tpu.memory_space<vmem>>
        %dma_start3A_187 = arith.constant 0 : i32
        %dma_start3A_188 = arith.constant 0 : i32
        %dma_start3A_189 = tpu.memref_slice %arg2[%dma_start3A_187, %dma_start3A_188] : memref<1000000x128xf32, #tpu.memory_space<hbm>> -> memref<1000000x128xf32, #tpu.memory_space<hbm>>
        tpu.enqueue_indirect_dma source(%dma_start3A_189 : memref<1000000x128xf32, #tpu.memory_space<hbm>>) target(%dma_start3A_183 : memref<100x128xf32, #tpu.memory_space<vmem>>) offsets(%dma_start3A_186 : memref<100xi32, #tpu.memory_space<vmem>>) semaphore(%arg10 : memref<!tpu.dma_semaphore, #tpu.memory_space<semaphore_mem>>) {add = true}
      } else {
      }
      %mul3A_109 = arith.constant 2 : i32
      %mul3A_110 = arith.muli %add3A_67, %mul3A_109 : i32
      %add3A_111 = arith.constant 0 : i32
      %add3A_112 = arith.addi %mul3A_110, %add3A_111 : i32
      %dma_wait3A_113 = arith.constant 0 : i32
      %dma_wait3A_114 = arith.constant 0 : i32
      %dma_wait3A_115 = tpu.memref_slice %arg9[%dma_wait3A_113, %dma_wait3A_114] : memref<200x128xf32, #tpu.memory_space<vmem>> -> memref<100x128xf32, #tpu.memory_space<vmem>>
      %dma_wait3A_116 = arith.constant 0 : i32
      %dma_wait3A_117 = tpu.memref_slice %arg7[%add3A_112, %dma_wait3A_116] : memref<64x100xi32, #tpu.memory_space<vmem>> -> memref<1x100xi32, #tpu.memory_space<vmem>>
      %dma_wait3A_118 = tpu.memref_squeeze %dma_wait3A_117 : memref<1x100xi32, #tpu.memory_space<vmem>> -> memref<100xi32, #tpu.memory_space<vmem>>
      %dma_wait3A_119 = arith.constant 0 : i32
      %dma_wait3A_120 = arith.constant 0 : i32
      %dma_wait3A_121 = tpu.memref_slice %arg2[%dma_wait3A_119, %dma_wait3A_120] : memref<1000000x128xf32, #tpu.memory_space<hbm>> -> memref<1000000x128xf32, #tpu.memory_space<hbm>>
      tpu.wait_indirect_dma semaphore(%arg11 : memref<!tpu.dma_semaphore, #tpu.memory_space<semaphore_mem>>) src(%dma_wait3A_121 : memref<1000000x128xf32, #tpu.memory_space<hbm>>) dst(%dma_wait3A_115 : memref<100x128xf32, #tpu.memory_space<vmem>>)
      %mul3A_122 = arith.constant 2 : i32
      %mul3A_123 = arith.muli %add3A_67, %mul3A_122 : i32
      %add3A_124 = arith.constant 1 : i32
      %add3A_125 = arith.addi %mul3A_123, %add3A_124 : i32
      %dma_wait3A_126 = arith.constant 100 : i32
      %dma_wait3A_127 = arith.constant 0 : i32
      %dma_wait3A_128 = tpu.memref_slice %arg9[%dma_wait3A_126, %dma_wait3A_127] : memref<200x128xf32, #tpu.memory_space<vmem>> -> memref<100x128xf32, #tpu.memory_space<vmem>>
      %dma_wait3A_129 = arith.constant 0 : i32
      %dma_wait3A_130 = tpu.memref_slice %arg7[%add3A_125, %dma_wait3A_129] : memref<64x100xi32, #tpu.memory_space<vmem>> -> memref<1x100xi32, #tpu.memory_space<vmem>>
      %dma_wait3A_131 = tpu.memref_squeeze %dma_wait3A_130 : memref<1x100xi32, #tpu.memory_space<vmem>> -> memref<100xi32, #tpu.memory_space<vmem>>
      %dma_wait3A_132 = arith.constant 0 : i32
      %dma_wait3A_133 = arith.constant 0 : i32
      %dma_wait3A_134 = tpu.memref_slice %arg2[%dma_wait3A_132, %dma_wait3A_133] : memref<1000000x128xf32, #tpu.memory_space<hbm>> -> memref<1000000x128xf32, #tpu.memory_space<hbm>>
      tpu.wait_indirect_dma semaphore(%arg11 : memref<!tpu.dma_semaphore, #tpu.memory_space<semaphore_mem>>) src(%dma_wait3A_134 : memref<1000000x128xf32, #tpu.memory_space<hbm>>) dst(%dma_wait3A_128 : memref<100x128xf32, #tpu.memory_space<vmem>>)
      %mul3A_135 = arith.constant 200 : i32
      %mul3A_136 = arith.muli %add3A_67, %mul3A_135 : i32
      %add3A_137 = arith.addi %mul3A_2, %mul3A_136 : i32
      %dma_start3A_138 = arith.constant 0 : i32
      %dma_start3A_139 = tpu.memref_slice %arg5[%add3A_137, %dma_start3A_138] : memref<204800x128xf32, #tpu.memory_space<hbm>> -> memref<200x128xf32, #tpu.memory_space<hbm>>
      %dma_start3A_140 = arith.constant 0 : i32
      %dma_start3A_141 = tpu.memref_slice %arg5[%add3A_137, %dma_start3A_140] : memref<204800x128xf32, #tpu.memory_space<hbm>> -> memref<200x128xf32, #tpu.memory_space<hbm>>
      tpu.enqueue_dma source(%arg9 : memref<200x128xf32, #tpu.memory_space<vmem>>) target(%dma_start3A_141 : memref<200x128xf32, #tpu.memory_space<hbm>>) target_semaphore(%arg13 : memref<!tpu.dma_semaphore, #tpu.memory_space<semaphore_mem>>)
      %mul3A_142 = arith.constant 200 : i32
      %mul3A_143 = arith.muli %add3A_67, %mul3A_142 : i32
      %add3A_144 = arith.addi %mul3A_2, %mul3A_143 : i32
      %dma_wait3A_145 = arith.constant 0 : i32
      %dma_wait3A_146 = tpu.memref_slice %arg5[%add3A_144, %dma_wait3A_145] : memref<204800x128xf32, #tpu.memory_space<hbm>> -> memref<200x128xf32, #tpu.memory_space<hbm>>
      %dma_wait3A_147 = arith.constant 0 : i32
      %dma_wait3A_148 = tpu.memref_slice %arg5[%add3A_144, %dma_wait3A_147] : memref<204800x128xf32, #tpu.memory_space<hbm>> -> memref<200x128xf32, #tpu.memory_space<hbm>>
      tpu.wait_dma2 semaphore(%arg13 : memref<!tpu.dma_semaphore, #tpu.memory_space<semaphore_mem>>) src(%arg9 : memref<200x128xf32, #tpu.memory_space<vmem>>) dst(%dma_wait3A_148 : memref<200x128xf32, #tpu.memory_space<hbm>>)
      %lt3A_149 = arith.constant 15 : i32
      %lt3A_150 = arith.cmpi slt, %scan3A_62, %lt3A_149 : i32
      %convert_element_type3A_151 = arith.extui %lt3A_150 : i1 to i32
      %cond3A_152 = arith.constant 0 : i32
      %cond3A_153 = arith.cmpi ne, %convert_element_type3A_151, %cond3A_152 : i32
      scf.if %cond3A_153 {
        %scan3A_155 = arith.constant 0 : i32
        %scan3A_156 = arith.constant 0 : i32
        %scan3A_157 = arith.constant 200 : i32
        %scan3A_158 = arith.addi %scan3A_156, %scan3A_157 : i32
        %scan3A_159 = arith.constant 1 : i32
        %scan3A_160 = scf.for %scan3A_190 = %scan3A_156 to %scan3A_158 step %scan3A_159 iter_args(%scan3A_191 = %scan3A_155) -> (i32)  : i32 {
          %get3A = arith.index_cast %scan3A_190 : i32 to index
          %get3A_192 = arith.constant 0 : index
          %get3A_193 = tpu.vector_load %arg6[%get3A, %get3A_192] {strides = array<i32>} : memref<200x128xf32, #tpu.memory_space<vmem>>, vector<1x16xf32>,
          %get3A_194 = vector.shape_cast %get3A_193 : vector<1x16xf32> to vector<16xf32>
          %swap3A = arith.index_cast %scan3A_190 : i32 to index
          %swap3A_195 = arith.constant 0 : index
          %swap3A_196 = tpu.vector_load %arg9[%swap3A, %swap3A_195] {strides = array<i32>} : memref<200x128xf32, #tpu.memory_space<vmem>>, vector<1x16xf32>,
          %swap3A_197 = vector.shape_cast %swap3A_196 : vector<1x16xf32> to vector<16xf32>
          %swap3A_198 = vector.shape_cast %get3A_194 : vector<16xf32> to vector<1x16xf32>
          tpu.vector_store %arg9[%swap3A, %swap3A_195], %swap3A_198 {strides = array<i32>} : memref<200x128xf32, #tpu.memory_space<vmem>>, vector<1x16xf32>,
          %get3A_199 = arith.index_cast %scan3A_190 : i32 to index
          %get3A_200 = arith.constant 16 : index
          %get3A_201 = tpu.vector_load %arg6[%get3A_199, %get3A_200] {strides = array<i32>} : memref<200x128xf32, #tpu.memory_space<vmem>>, vector<1x16xf32>,
          %get3A_202 = vector.shape_cast %get3A_201 : vector<1x16xf32> to vector<16xf32>
          %swap3A_203 = arith.index_cast %scan3A_190 : i32 to index
          %swap3A_204 = arith.constant 16 : index
          %swap3A_205 = tpu.vector_load %arg9[%swap3A_203, %swap3A_204] {strides = array<i32>} : memref<200x128xf32, #tpu.memory_space<vmem>>, vector<1x16xf32>,
          %swap3A_206 = vector.shape_cast %swap3A_205 : vector<1x16xf32> to vector<16xf32>
          %swap3A_207 = vector.shape_cast %get3A_202 : vector<16xf32> to vector<1x16xf32>
          tpu.vector_store %arg9[%swap3A_203, %swap3A_204], %swap3A_207 {strides = array<i32>} : memref<200x128xf32, #tpu.memory_space<vmem>>, vector<1x16xf32>,
          %get3A_208 = arith.index_cast %scan3A_190 : i32 to index
          %get3A_209 = arith.constant 32 : index
          %get3A_210 = tpu.vector_load %arg6[%get3A_208, %get3A_209] {strides = array<i32>} : memref<200x128xf32, #tpu.memory_space<vmem>>, vector<1x16xf32>,
          %get3A_211 = vector.shape_cast %get3A_210 : vector<1x16xf32> to vector<16xf32>
          %swap3A_212 = arith.index_cast %scan3A_190 : i32 to index
          %swap3A_213 = arith.constant 32 : index
          %swap3A_214 = tpu.vector_load %arg9[%swap3A_212, %swap3A_213] {strides = array<i32>} : memref<200x128xf32, #tpu.memory_space<vmem>>, vector<1x16xf32>,
          %swap3A_215 = vector.shape_cast %swap3A_214 : vector<1x16xf32> to vector<16xf32>
          %swap3A_216 = vector.shape_cast %get3A_211 : vector<16xf32> to vector<1x16xf32>
          tpu.vector_store %arg9[%swap3A_212, %swap3A_213], %swap3A_216 {strides = array<i32>} : memref<200x128xf32, #tpu.memory_space<vmem>>, vector<1x16xf32>,
          %get3A_217 = arith.index_cast %scan3A_190 : i32 to index
          %get3A_218 = arith.constant 48 : index
          %get3A_219 = tpu.vector_load %arg6[%get3A_217, %get3A_218] {strides = array<i32>} : memref<200x128xf32, #tpu.memory_space<vmem>>, vector<1x16xf32>,
          %get3A_220 = vector.shape_cast %get3A_219 : vector<1x16xf32> to vector<16xf32>
          %swap3A_221 = arith.index_cast %scan3A_190 : i32 to index
          %swap3A_222 = arith.constant 48 : index
          %swap3A_223 = tpu.vector_load %arg9[%swap3A_221, %swap3A_222] {strides = array<i32>} : memref<200x128xf32, #tpu.memory_space<vmem>>, vector<1x16xf32>,
          %swap3A_224 = vector.shape_cast %swap3A_223 : vector<1x16xf32> to vector<16xf32>
          %swap3A_225 = vector.shape_cast %get3A_220 : vector<16xf32> to vector<1x16xf32>
          tpu.vector_store %arg9[%swap3A_221, %swap3A_222], %swap3A_225 {strides = array<i32>} : memref<200x128xf32, #tpu.memory_space<vmem>>, vector<1x16xf32>,
          %get3A_226 = arith.index_cast %scan3A_190 : i32 to index
          %get3A_227 = arith.constant 64 : index
          %get3A_228 = tpu.vector_load %arg6[%get3A_226, %get3A_227] {strides = array<i32>} : memref<200x128xf32, #tpu.memory_space<vmem>>, vector<1x16xf32>,
          %get3A_229 = vector.shape_cast %get3A_228 : vector<1x16xf32> to vector<16xf32>
          %swap3A_230 = arith.index_cast %scan3A_190 : i32 to index
          %swap3A_231 = arith.constant 64 : index
          %swap3A_232 = tpu.vector_load %arg9[%swap3A_230, %swap3A_231] {strides = array<i32>} : memref<200x128xf32, #tpu.memory_space<vmem>>, vector<1x16xf32>,
          %swap3A_233 = vector.shape_cast %swap3A_232 : vector<1x16xf32> to vector<16xf32>
          %swap3A_234 = vector.shape_cast %get3A_229 : vector<16xf32> to vector<1x16xf32>
          tpu.vector_store %arg9[%swap3A_230, %swap3A_231], %swap3A_234 {strides = array<i32>} : memref<200x128xf32, #tpu.memory_space<vmem>>, vector<1x16xf32>,
          %get3A_235 = arith.index_cast %scan3A_190 : i32 to index
          %get3A_236 = arith.constant 80 : index
          %get3A_237 = tpu.vector_load %arg6[%get3A_235, %get3A_236] {strides = array<i32>} : memref<200x128xf32, #tpu.memory_space<vmem>>, vector<1x16xf32>,
          %get3A_238 = vector.shape_cast %get3A_237 : vector<1x16xf32> to vector<16xf32>
          %swap3A_239 = arith.index_cast %scan3A_190 : i32 to index
          %swap3A_240 = arith.constant 80 : index
          %swap3A_241 = tpu.vector_load %arg9[%swap3A_239, %swap3A_240] {strides = array<i32>} : memref<200x128xf32, #tpu.memory_space<vmem>>, vector<1x16xf32>,
          %swap3A_242 = vector.shape_cast %swap3A_241 : vector<1x16xf32> to vector<16xf32>
          %swap3A_243 = vector.shape_cast %get3A_238 : vector<16xf32> to vector<1x16xf32>
          tpu.vector_store %arg9[%swap3A_239, %swap3A_240], %swap3A_243 {strides = array<i32>} : memref<200x128xf32, #tpu.memory_space<vmem>>, vector<1x16xf32>,
          %get3A_244 = arith.index_cast %scan3A_190 : i32 to index
          %get3A_245 = arith.constant 96 : index
          %get3A_246 = tpu.vector_load %arg6[%get3A_244, %get3A_245] {strides = array<i32>} : memref<200x128xf32, #tpu.memory_space<vmem>>, vector<1x16xf32>,
          %get3A_247 = vector.shape_cast %get3A_246 : vector<1x16xf32> to vector<16xf32>
          %swap3A_248 = arith.index_cast %scan3A_190 : i32 to index
          %swap3A_249 = arith.constant 96 : index
          %swap3A_250 = tpu.vector_load %arg9[%swap3A_248, %swap3A_249] {strides = array<i32>} : memref<200x128xf32, #tpu.memory_space<vmem>>, vector<1x16xf32>,
          %swap3A_251 = vector.shape_cast %swap3A_250 : vector<1x16xf32> to vector<16xf32>
          %swap3A_252 = vector.shape_cast %get3A_247 : vector<16xf32> to vector<1x16xf32>
          tpu.vector_store %arg9[%swap3A_248, %swap3A_249], %swap3A_252 {strides = array<i32>} : memref<200x128xf32, #tpu.memory_space<vmem>>, vector<1x16xf32>,
          %get3A_253 = arith.index_cast %scan3A_190 : i32 to index
          %get3A_254 = arith.constant 112 : index
          %get3A_255 = tpu.vector_load %arg6[%get3A_253, %get3A_254] {strides = array<i32>} : memref<200x128xf32, #tpu.memory_space<vmem>>, vector<1x16xf32>,
          %get3A_256 = vector.shape_cast %get3A_255 : vector<1x16xf32> to vector<16xf32>
          %swap3A_257 = arith.index_cast %scan3A_190 : i32 to index
          %swap3A_258 = arith.constant 112 : index
          %swap3A_259 = tpu.vector_load %arg9[%swap3A_257, %swap3A_258] {strides = array<i32>} : memref<200x128xf32, #tpu.memory_space<vmem>>, vector<1x16xf32>,
          %swap3A_260 = vector.shape_cast %swap3A_259 : vector<1x16xf32> to vector<16xf32>
          %swap3A_261 = vector.shape_cast %get3A_256 : vector<16xf32> to vector<1x16xf32>
          tpu.vector_store %arg9[%swap3A_257, %swap3A_258], %swap3A_261 {strides = array<i32>} : memref<200x128xf32, #tpu.memory_space<vmem>>, vector<1x16xf32>,
          %scan3A_262 = arith.constant 0 : i32
          scf.yield %scan3A_262 : i32
        }
        %scan3A_161 = arith.constant 200 : i32
        %add3A_162 = arith.constant 2 : i32
        %add3A_163 = arith.addi %add3A_67, %add3A_162 : i32
        %mul3A_164 = arith.constant 2 : i32
        %mul3A_165 = arith.muli %add3A_163, %mul3A_164 : i32
        %add3A_166 = arith.constant 0 : i32
        %add3A_167 = arith.addi %mul3A_165, %add3A_166 : i32
        %dma_start3A_168 = arith.constant 0 : i32
        %dma_start3A_169 = arith.constant 0 : i32
        %dma_start3A_170 = tpu.memref_slice %arg9[%dma_start3A_168, %dma_start3A_169] : memref<200x128xf32, #tpu.memory_space<vmem>> -> memref<100x128xf32, #tpu.memory_space<vmem>>
        %dma_start3A_171 = arith.constant 0 : i32
        %dma_start3A_172 = tpu.memref_slice %arg7[%add3A_167, %dma_start3A_171] : memref<64x100xi32, #tpu.memory_space<vmem>> -> memref<1x100xi32, #tpu.memory_space<vmem>>
        %dma_start3A_173 = tpu.memref_squeeze %dma_start3A_172 : memref<1x100xi32, #tpu.memory_space<vmem>> -> memref<100xi32, #tpu.memory_space<vmem>>
        %dma_start3A_174 = arith.constant 0 : i32
        %dma_start3A_175 = arith.constant 0 : i32
        %dma_start3A_176 = tpu.memref_slice %arg2[%dma_start3A_174, %dma_start3A_175] : memref<1000000x128xf32, #tpu.memory_space<hbm>> -> memref<1000000x128xf32, #tpu.memory_space<hbm>>
        tpu.enqueue_indirect_dma source(%dma_start3A_176 : memref<1000000x128xf32, #tpu.memory_space<hbm>>) target(%dma_start3A_170 : memref<100x128xf32, #tpu.memory_space<vmem>>) offsets(%dma_start3A_173 : memref<100xi32, #tpu.memory_space<vmem>>) semaphore(%arg11 : memref<!tpu.dma_semaphore, #tpu.memory_space<semaphore_mem>>) {add = true}
        %mul3A_177 = arith.constant 2 : i32
        %mul3A_178 = arith.muli %add3A_163, %mul3A_177 : i32
        %add3A_179 = arith.constant 1 : i32
        %add3A_180 = arith.addi %mul3A_178, %add3A_179 : i32
        %dma_start3A_181 = arith.constant 100 : i32
        %dma_start3A_182 = arith.constant 0 : i32
        %dma_start3A_183 = tpu.memref_slice %arg9[%dma_start3A_181, %dma_start3A_182] : memref<200x128xf32, #tpu.memory_space<vmem>> -> memref<100x128xf32, #tpu.memory_space<vmem>>
        %dma_start3A_184 = arith.constant 0 : i32
        %dma_start3A_185 = tpu.memref_slice %arg7[%add3A_180, %dma_start3A_184] : memref<64x100xi32, #tpu.memory_space<vmem>> -> memref<1x100xi32, #tpu.memory_space<vmem>>
        %dma_start3A_186 = tpu.memref_squeeze %dma_start3A_185 : memref<1x100xi32, #tpu.memory_space<vmem>> -> memref<100xi32, #tpu.memory_space<vmem>>
        %dma_start3A_187 = arith.constant 0 : i32
        %dma_start3A_188 = arith.constant 0 : i32
        %dma_start3A_189 = tpu.memref_slice %arg2[%dma_start3A_187, %dma_start3A_188] : memref<1000000x128xf32, #tpu.memory_space<hbm>> -> memref<1000000x128xf32, #tpu.memory_space<hbm>>
        tpu.enqueue_indirect_dma source(%dma_start3A_189 : memref<1000000x128xf32, #tpu.memory_space<hbm>>) target(%dma_start3A_183 : memref<100x128xf32, #tpu.memory_space<vmem>>) offsets(%dma_start3A_186 : memref<100xi32, #tpu.memory_space<vmem>>) semaphore(%arg11 : memref<!tpu.dma_semaphore, #tpu.memory_space<semaphore_mem>>) {add = true}
      } else {
      }
      %scan3A_154 = arith.constant 0 : i32
      scf.yield %scan3A_154 : i32
    }
    %scan3A_61 = arith.constant 16 : i32
    return
  }
}

</mosaic_0001>

<sc_bundles>
// kernel: _run.3.cloned.1.call-start
scs
__scs_entry_jumppad:
0x0: {  	(pc) =	sbr.rel $0x88, $3  }
0x1: {  	(tag) =	ssettag $0x0;
	lr =	simm.s32 $0x1  }
0x2: {  	[smem:$0x3F9E] =	sst lr;
	_ =	strace $0xD0000000  }
0x3: {  	_ = 	snop  }
0x4: {  	_ = 	snop  }
0x5: {  	_ = 	snop  }
0x6: {  	_ = 	snop  }
0x7: {  	_ = 	snop  }
__scs_overlays_trampoline_lowered:
0x8: {  	[smem:$0x3FAD] =	sst s0  }
0x9: {  	[smem:$0x3FAE] =	sst s1  }
0xa: {  	[smem:$0x3FAF] =	sst s2  }
0xb: {  	[smem:$0x3FB0] =	sst s3  }
0xc: {  	[smem:$0x3FB1] =	sst s4  }
0xd: {  	[smem:$0x3FB2] =	sst s5  }
0xe: {  	[smem:$0x3FB3] =	sst s6  }
0xf: {  	[smem:$0x3FB4] =	sst s7  }
0x10: {  	[smem:$0x3FB5] =	sst s8  }
0x11: {  	[smem:$0x3FB6] =	sst s9;
	s0 =	simm.s32 @!p0 $0x0  }
0x12: {  	s1 =	sld [smem:$0x3F9C];
	s0 =	simm.s32 @p0 $0x1  }
0x13: {  	[smem:$0x3FB7] =	sst s0;
	s0 =	simm.s32 @!p1 $0x0  }
0x14: {  	s2 =	sld [smem:$0x3F9B];
	s0 =	simm.s32 @p1 $0x1  }
0x15: {  	[smem:$0x3FB8] =	sst s0;
	s0 =	simm.s32 @!p2 $0x0  }
0x16: {  	s3 =	sld [smem:$0x3FDB];
	s0 =	simm.s32 @p2 $0x1  }
0x17: {  	s4 =	simm.s32 $0x1BF5;
	[smem:$0x3FBA] =	sst s0  }
0x18: {  	s0 =	sld [smem:$0x3F9D];
	_ =	swait.ge [sflag:s4], $0x0  }
0x19: {  	s7 =	sld [smem:$0x3F9E]  }
0x1a: {  	s8 =	sadd.s32 $0xFFFFE003, lr  }
0x1b: {  	s9 =	sadd.s32 $0xFFFFFEF7, lr;
	s5 =	simm.s32 $0xFFFFFFFF;
	p2 =	slt.u32 s8, $0xFFFFF086  }
0x1c: {  	p1 =	slt.u32 s9, $0xF7A;
	s5 =	simm.s32 @!p2 $0x0  }
0x1d: {  	s5 =	simm.s32 @p1 $0x1;
	p0 =	seq.s32 s7, s2  }
0x1e: {  	s7 =	smul.u32 @!p0 $0xF7A, s2;
	p2 =	seq.s32 @!p0 s5, $0x0  }
0x1f: {  	s9 =	smul.u32 $0xF7A, s1;
	s8 =	simm.s32 @!p0 $0x1BF5;
	p2 =	por !p2, p0  }
0x20: {  	[sflag:s8] =	ssyncset.s32 @!p0 $0xFFFFF086;
	s6 =	sadd.s32 @!p0 s3, s7;
	s7 =	simm.s32 @!p0 $0x108  }
0x21: {  	s3 =	sadd.s32 s3, s9;
	s6 =	sadd.s32 @!p0 $0x88, s6;
	s7 =	simm.s32 @p2 $0x1082  }
0x22: {  	[simem:s7], [sflag:s8] =	dma.local @!p0 [hbm:s6], $0xF7A  }
0x23: {  	s9 =	sor.u32 $0xD0000000, s2;
	s6 =	simm.s32 $0x108;
	_ =	swait.ge @!p0 [sflag:s8], $0x0  }
0x24: {  	s3 =	sadd.s32 $0x88, s3;
	s6 =	simm.s32 @!p1 $0x1082;
	[sflag:s4] =	ssyncset.s32 $0xFFFFF086  }
0x25: {  	[simem:s6], [sflag:s4] =	dma.local [hbm:s3], $0xF7A  }
0x26: {  	[smem:$0x3F9E] =	sst s1;
	(tag) =	ssettag s2;
	_ =	strace s9  }
0x27: {  	s1 =	sld [smem:$0x3FAE]  }
0x28: {  	s2 =	sld [smem:$0x3FAF]  }
0x29: {  	s4 =	sld [smem:$0x3FB1]  }
0x2a: {  	p0 =	seq.s32 s5, $0x0;
	s5 =	sld [smem:$0x3FB2]  }
0x2b: {  	s6 =	sld [smem:$0x3FB3]  }
0x2c: {  	s7 =	sld [smem:$0x3FB4]  }
0x2d: {  	s3 =	simm.s32 $0x108;
	s8 =	sld [smem:$0x3FB5]  }
0x2e: {  	s3 =	simm.s32 @!p0 $0x1082;
	s9 =	sld [smem:$0x3FB6]  }
0x2f: {  	lr =	sadd.s32 s0, s3;
	s0 =	sld [smem:$0x3FAD]  }
0x30: {  	s3 =	sld [smem:$0x3FB0]  }
0x31: {  	[smem:$0x3FB9] =	sst s10  }
0x32: {  	s10 =	sld [smem:$0x3FB7];
	_ =	sdelay $0x3  }
0x33: {  	p0 =	seq.s32 s10, $0x1;
	s10 =	sld [smem:$0x3FB9];
	_ =	sdelay $0x3  }
0x34: {  	[smem:$0x3FB9] =	sst s10  }
0x35: {  	s10 =	sld [smem:$0x3FB8];
	_ =	sdelay $0x3  }
0x36: {  	p1 =	seq.s32 s10, $0x1;
	s10 =	sld [smem:$0x3FB9];
	_ =	sdelay $0x3  }
0x37: {  	[smem:$0x3FB9] =	sst s10  }
0x38: {  	s10 =	sld [smem:$0x3FBA]  }
0x39: {  	_ = 	snop;
	(pc) =	sbr.ind lr, $3  }
0x3a: {  	_ = 	snop  }
0x3b: {  	_ = 	snop  }
0x3c: {  	p2 =	seq.s32 s10, $0x1;
	s10 =	sld [smem:$0x3FB9]  }
0x3d: {  	_ =	shalt  }
0x3e: {  	_ =	shalt  }
0x3f: {  	_ =	shalt  }
0x40: {  	_ =	shalt  }
0x41: {  	_ =	shalt  }
0x42: {  	_ =	shalt  }
0x43: {  	_ =	shalt  }
0x44: {  	_ =	shalt  }
0x45: {  	_ =	shalt  }
0x46: {  	_ =	shalt  }
0x47: {  	_ =	shalt  }
0x48: {  	_ =	shalt  }
0x49: {  	_ =	shalt  }
0x4a: {  	_ =	shalt  }
0x4b: {  	_ =	shalt  }
0x4c: {  	_ =	shalt  }
0x4d: {  	_ =	shalt  }
0x4e: {  	_ =	shalt  }
0x4f: {  	_ =	shalt  }
0x50: {  	_ =	shalt  }
0x51: {  	_ =	shalt  }
0x52: {  	_ =	shalt  }
0x53: {  	_ =	shalt  }
0x54: {  	_ =	shalt  }
0x55: {  	_ =	shalt  }
0x56: {  	_ =	shalt  }
0x57: {  	_ =	shalt  }
0x58: {  	_ =	shalt  }
0x59: {  	_ =	shalt  }
0x5a: {  	_ =	shalt  }
0x5b: {  	_ =	shalt  }
0x5c: {  	_ =	shalt  }
0x5d: {  	_ =	shalt  }
0x5e: {  	_ =	shalt  }
0x5f: {  	_ =	shalt  }
0x60: {  	_ =	shalt  }
0x61: {  	_ =	shalt  }
0x62: {  	_ =	shalt  }
0x63: {  	_ =	shalt  }
0x64: {  	_ =	shalt  }
0x65: {  	_ =	shalt  }
0x66: {  	_ =	shalt  }
0x67: {  	_ =	shalt  }
0x68: {  	_ =	shalt  }
0x69: {  	_ =	shalt  }
0x6a: {  	_ =	shalt  }
0x6b: {  	_ =	shalt  }
0x6c: {  	_ =	shalt  }
0x6d: {  	_ =	shalt  }
0x6e: {  	_ =	shalt  }
0x6f: {  	_ =	shalt  }
0x70: {  	_ =	shalt  }
0x71: {  	_ =	shalt  }
0x72: {  	_ =	shalt  }
0x73: {  	_ =	shalt  }
0x74: {  	_ =	shalt  }
0x75: {  	_ =	shalt  }
0x76: {  	_ =	shalt  }
0x77: {  	_ =	shalt  }
0x78: {  	_ =	shalt  }
0x79: {  	_ =	shalt  }
0x7a: {  	_ =	shalt  }
0x7b: {  	_ =	shalt  }
0x7c: {  	_ =	shalt  }
0x7d: {  	_ =	shalt  }
0x7e: {  	_ =	shalt  }
0x7f: {  	_ =	shalt  }
0x80: {  	_ =	shalt  }
0x81: {  	_ =	shalt  }
0x82: {  	_ =	shalt  }
0x83: {  	_ =	shalt  }
0x84: {  	_ =	shalt  }
0x85: {  	_ =	shalt  }
0x86: {  	_ =	shalt  }
0x87: {  	_ =	shalt  }
.Lfunc_end0:
.L_simem_size_0:
called_computation_lowered:
.L_overlay_start_0:
0x88: {  	s2 =	sld [smem:$0x3FD9]  }
0x89: {  	s3 =	sld [smem:$0x3FFE];
	_ =	sdelay $0x1  }
0x8a: {  	s1 =	srdreg.scid  }
0x8b: {  	s0 =	sand.u32 $0x1, s1  }
0x8c: {  	s17 =	sshll.u32 s0, $0xA;
	s2 =	sadd.s32 s3, s2  }
0x8d: {  	s2 =	sadd.s32 s2, s17  }
0x8e: {  	[smem:$0x3FC5] =	sst s2  }
0x8f: {  	_ = 	snop  }
0x90: {  	s2 =	sld [smem:$0x3FC8]  }
0x91: {  	s18 =	sld [smem:$0x3FC7]  }
0x92: {  	s4 =	sld [smem:$0x3FD0];
	(tm) =	ssettm $0x1  }
0x93: {  	s5 =	sld [smem:$0x3FFB];
	_ =	sdelay $0x3  }
0x94: {  	_ =	strace s5  }
0x95: {  	s5 =	sld [smem:$0x3FFC];
	_ =	sdelay $0x3  }
0x96: {  	_ =	strace s5  }
0x97: {  	s5 =	sld [smem:$0x3FFD];
	_ =	sdelay $0x3  }
0x98: {  	_ =	strace s5  }
0x99: {  	_ =	strace $0x8FFFFFFF  }
0x9a: {  	s19 =	sld [smem:$0x3FDB];
	_ =	sdelay $0x1  }
0x9b: {  	s6 =	simm.s32 $_scs_section_size  }
0x9c: {  	s7 =	simm.s32 $_size__tile_overlayer_lowered;
	s8 =	simm.s32 $_tile_overlayer_lowered  }
0x9d: {  	s22 =	simm.s32 $0x1BFF;
	s21 =	sshll.u32 s8, $0x1;
	s5 =	sadd.s32 s6, s19  }
0x9e: {  	s9 =	simm.s32 $0x0;
	s20 =	sshll.u32 s7, $0x1;
	s7 =	sadd.s32 s21, s5  }
0x9f: {  	[timem:s9], [sflag:s22] =	dma.local [hbm:s7], s20  }
0xa0: {  	_ =	swait.ge [sflag:s22], s20  }
0xa1: {  	s6 =	ssub.s32 $0x0, s20;
	[sflag:s22] =	ssyncset.done $0x0  }
0xa2: {  	[sflag:s22] =	ssyncadd.s32 s6;
	_ =	sdelay $0x1  }
0xa3: {  	s23 =	simm.s32 $0x1B8B  }
0xa4: {  	_ =	swait.ge [sflag:s23], $0x1  }
0xa5: {  	[sflag:s23] =	ssyncset.done $0x0  }
0xa6: {  	s25 =	simm.s32 $0x1B8E;
	s24 =	sld [smem:$0x3FFE];
	[sflag:s23] =	ssyncadd.s32 $0xFFFFFFFF  }
0xa7: {  	s26 =	simm.s32 $execute0_lowered;
	[smem:$0x3FD2] =	sst s25  }
0xa8: {  	s7 =	sshll.u32 s26, $0x1;
	_ =	strace $0x80000046;
	[dreg:$0x1] =	wrdreg $0xFFFFFFFF  }
0xa9: {  	s28 =	simm.s32 $_size_execute0_lowered;
	s5 =	sadd.s32 s5, s7;
	[dreg:$0x0] =	wrdreg $0x0  }
0xaa: {  	s7 =	sshll.u32 s28, $0x1;
	[dreg:$0x2] =	wrdreg s5  }
0xab: {  	[dreg:$0x3] =	wrdreg s7  }
0xac: {  	[dreg:$0x4] =	wrdreg $0xC0  }
0xad: {  	_ =	task [dreg:s9], $0x5FFFF  }
0xae: {  	[dreg:$0x1] =	wrdreg $0xFFFFFFFF  }
0xaf: {  	[dreg:$0x0] =	wrdreg $0x60  }
0xb0: {  	[dreg:$0x2] =	wrdreg s2  }
0xb1: {  	[dreg:$0x3] =	wrdreg s24  }
0xb2: {  	[dreg:$0x4] =	wrdreg s18  }
0xb3: {  	[dreg:$0x5] =	wrdreg s4  }
0xb4: {  	[dreg:$0x6] =	wrdreg $0x9  }
0xb5: {  	_ =	task.clear_ibuf [dreg:s9], $0x7FFFF;
	_ =	strace $0x90000046  }
0xb6: {  	s29 =	simm.s32 $0x9;
	_ =	strace $0x80000048  }
0xb7: {  	_ =	swait.ge [sflag:s29], $0x1  }
0xb8: {  	[sflag:s29] =	ssyncadd.s32 $0xFFFFFFFF  }
0xb9: {  	_ =	strace $0x90000048  }
0xba: {  	_ =	sfence  }
0xbb: {  	s30 =	sld [smem:$0x0];
	_ =	sdelay $0x2  }
0xbc: {  	s31 =	sshll.u32 s1, $0xD;
	s1 =	sshrl.u32 s1, $0x2  }
0xbd: {  	s3 =	sand.u32 $0x4000, s31;
	s1 =	sadd.s32 s1, s30  }
0xbe: {  	s0 =	sor.u32 s3, s0;
	s1 =	sshll.u32 s1, $0x11  }
0xbf: {  	s0 =	sor.u32 s1, s0  }
0xc0: {  	s0 =	sadd.s32 $0x8F2B, s0  }
0xc1: {  	[sflag:s0] =	ssyncadd.remote.s32 $0x1  }
0xc2: {  	_ =	sfence.sel $0xFFFF  }
0xc3: {  	[dreg:$0x0] =	wrdreg $0xFFFFFFFF;
	(pc) =	sbr.abs _section_cstart, $3  }
0xc4: {  	[dreg:$0x1] =	wrdreg $0xFFFFFFFF  }
0xc5: {  	_ =	task.clear_ibuf [dreg:s9], $0x2FFFF;
	_ =	strace $0x9FFFFFFF  }
0xc6: {  	(tm) =	ssettm $0x7FFFFFFF  }
0xc7: {  	_ =	shalt  }
tec
execute0_lowered:
.L_overlay_start_1:
0x0: {  	(tag) =	ssettag $0x1  }
0x1: {  	s1 =	rddreg [dreg:$0x0]  }
0x2: {  	s7 =	rddreg [dreg:$0x1]  }
0x3: {  	s3 =	rddreg [dreg:$0x2]  }
0x4: {  	s4 =	rddreg [dreg:$0x3]  }
0x5: {  	s0 =	rddreg [dreg:$0x4]  }
0x6: {  	s6 =	srdreg.scid;
	s2 =	stileid.u32;
	s5 =	simm.s32 $0x0  }
0x7: {  	s12 =	simm.s32 $0x64;
	s13 =	simm.s32 $0x8400;
	s14 =	simm.s32 $0x6480  }
0x8: {  	s15 =	simm.s32 $0xB600;
	s16 =	simm.s32 $0x6500;
	s17 =	simm.s32 $0xE800  }
0x9: {  	s18 =	simm.s32 $0x6580;
	s19 =	simm.s32 $0x11A00;
	s20 =	simm.s32 $0x1  }
0xa: {  	s21 =	simm.s32 $0x3;
	s22 =	simm.s32 $0x2;
	s23 =	simm.s32 $0x4  }
0xb: {  	s24 =	simm.s32 $0x0;
	s6 =	sand.u32 $0x1, s6;
	s8 =	sshll.u32 s2, $0x1  }
.Ltmp0:
0xc: {  	[smem:$0x7FF] =	sst s5;
	s8 =	sor.u32 s6, s8;
	(pc) =	sbr.rel .LBB2_1-.Ltmp0, $4  }
0xd: {  	s9 =	ssub.s32 $0x2, s6;
	_ =	strace $0x80000047;
	s10 =	sshll.u32 s8, $0xA  }
0xe: {  	s11 =	sshrl.u32 s9, $0x1;
	s6 =	smul.u32 $0x1900, s8;
	s7 =	sadd.s32 s10, s7  }
0xf: {  	s9 =	ssub.s32 s9, s11;
	s10 =	simm.s32 $0x6400;
	s11 =	simm.s32 $0x5  }
0x10: {  	s7 =	sadd.s32 $0x400, s7;
	s8 =	sor.u32 $0xC8, s6;
	s9 =	smax.u32 s9, $0x1  }
.LBB2_14:
0x11: {  	s24 =	sadd.s32 $0x1, s24  }
0x12: {  	p0 =	sne.s32 s24, s9  }
.Ltmp1:
0x13: {  	_ = 	snop;
	(pc) =	sbr.rel @!p0 .LBB2_15-.Ltmp1, $1  }
0x14: {  	_ =	sdelay $0x3  }
.LBB2_1:
0x15: {  	[tilespmem:s10], [sflag:$0x5] =	stream.linear.gather [hbm4b:s7+s5], $0x2000, $0x38;
	[tilespmem:$0x14C00] =	vst v63  }
0x16: {  	_ =	swait.ge [sflag:s11], $0x2000  }
0x17: {  	[sflag:s11] =	ssyncset.done $0x0  }
0x18: {  	[sflag:s11] =	ssyncadd.s32 $0xFFFFE000  }
0x19: {  	[tilespmem:s5], [sflag:$0x5] =	stream.linear.gather [hbm4b:s3+s5], $0x6400, $0x38;
	[tilespmem:$0x14C00] =	vst v63  }
0x1a: {  	_ =	swait.ge [sflag:s11], $0x6400  }
0x1b: {  	[sflag:s11] =	ssyncset.done $0x0  }
0x1c: {  	s25 =	simm.s32 $0x0;
	[sflag:s11] =	ssyncadd.s32 $0xFFFF9C00  }
0x1d: {  	v3 =	vld [tilespmem:s25+$0x70]  }
0x1e: {  	v4 =	vld [tilespmem:s25+$0x0]  }
0x1f: {  	v5 =	vld [tilespmem:s25+$0x10]  }
0x20: {  	v2 =	vld [tilespmem:s25+$0x20]  }
0x21: {  	v0 =	vld [tilespmem:s25+$0x30]  }
0x22: {  	v1 =	vld [tilespmem:s25+$0x40];
	[tilespmem:s25+$0x8470] =	vst v3  }
0x23: {  	[tilespmem:s25+$0x8400] =	vst v4;
	v3 =	vld [tilespmem:s25+$0x50]  }
0x24: {  	s26 =	simm.s32 $0x80;
	s28 =	simm.s32 $0x400;
	[tilespmem:s25+$0x8410] =	vst v5;
	v4 =	vld [tilespmem:s25+$0x60]  }
.LBB2_2:
0x25: {  	p0 =	sne.s32 s28, $0x18E00;
	v5 =	vld [tilespmem:s26+$0x70];
	[tilespmem:s25+$0x8420] =	vst v2  }
0x26: {  	v6 =	vld [tilespmem:s26+$0x0];
	[tilespmem:s25+$0x8430] =	vst v0  }
0x27: {  	v7 =	vld [tilespmem:s26+$0x10];
	[tilespmem:s25+$0x8440] =	vst v1  }
.Ltmp2:
0x28: {  	v2 =	vld [tilespmem:s26+$0x20];
	[tilespmem:s25+$0x8450] =	vst v3;
	(pc) =	sbr.rel @p0 .LBB2_2-.Ltmp2, $4  }
0x29: {  	v0 =	vld [tilespmem:s26+$0x30];
	[tilespmem:s25+$0x8460] =	vst v4;
	s25 =	smov.u32 s26  }
0x2a: {  	v1 =	vld [tilespmem:s25+$0x40];
	[tilespmem:s25+$0x8470] =	vst v5  }
0x2b: {  	[tilespmem:s25+$0x8400] =	vst v6;
	v3 =	vld [tilespmem:s25+$0x50]  }
0x2c: {  	s26 =	sshra.s32 s28, $0x2;
	s28 =	sadd.s32 $0x200, s28;
	[tilespmem:s25+$0x8410] =	vst v7;
	v4 =	vld [tilespmem:s25+$0x60]  }
0x2d: {  	v5 =	vld [tilespmem:s26+$0x70];
	[tilespmem:s25+$0x8420] =	vst v2  }
0x2e: {  	v2 =	vld [tilespmem:s26+$0x0];
	[tilespmem:s25+$0x8430] =	vst v0  }
0x2f: {  	v0 =	vld [tilespmem:s26+$0x10];
	[tilespmem:s25+$0x8440] =	vst v1  }
0x30: {  	v1 =	vld [tilespmem:s26+$0x20];
	[tilespmem:s25+$0x8450] =	vst v3  }
0x31: {  	v3 =	vld [tilespmem:s26+$0x30];
	[tilespmem:s25+$0x8460] =	vst v4  }
0x32: {  	v4 =	vld [tilespmem:s26+$0x40];
	[tilespmem:s26+$0x8470] =	vst v5  }
0x33: {  	[tilespmem:s26+$0x8400] =	vst v2;
	v2 =	vld [tilespmem:s26+$0x50]  }
0x34: {  	[tilespmem:s26+$0x8410] =	vst v0;
	v0 =	vld [tilespmem:s26+$0x60]  }
0x35: {  	[tilespmem:s26+$0x8420] =	vst v1  }
0x36: {  	[tilespmem:s26+$0x8430] =	vst v3  }
0x37: {  	[tilespmem:s26+$0x8440] =	vst v4  }
0x38: {  	[tilespmem:s26+$0x8450] =	vst v2  }
0x39: {  	[tilespmem:s26+$0x8460] =	vst v0  }
0x3a: {  	[tilespmem:s13], [sflag:$0x1] =	stream.indirect.gather.add.f32 [hbm:s1], $0x80, s10, s12, $0xb8;
	[tilespmem:$0x14C00] =	vst v63  }
0x3b: {  	s25 =	simm.s32 $0x0  }
0x3c: {  	[tilespmem:s15], [sflag:$0x1] =	stream.indirect.gather.add.f32 [hbm:s1], $0x80, s14, s12, $0xb8;
	[tilespmem:$0x14C00] =	vst v63  }
0x3d: {  	v3 =	vld [tilespmem:s25+$0x70]  }
0x3e: {  	v4 =	vld [tilespmem:s25+$0x0]  }
0x3f: {  	v5 =	vld [tilespmem:s25+$0x10]  }
0x40: {  	v2 =	vld [tilespmem:s25+$0x20]  }
0x41: {  	v0 =	vld [tilespmem:s25+$0x30]  }
0x42: {  	v1 =	vld [tilespmem:s25+$0x40];
	[tilespmem:s25+$0xE870] =	vst v3  }
0x43: {  	[tilespmem:s25+$0xE800] =	vst v4;
	v3 =	vld [tilespmem:s25+$0x50]  }
0x44: {  	s28 =	simm.s32 $0x400;
	s26 =	simm.s32 $0x80;
	[tilespmem:s25+$0xE810] =	vst v5;
	v4 =	vld [tilespmem:s25+$0x60]  }
.LBB2_4:
0x45: {  	p0 =	sne.s32 s28, $0x18E00;
	v5 =	vld [tilespmem:s26+$0x70];
	[tilespmem:s25+$0xE820] =	vst v2  }
0x46: {  	v6 =	vld [tilespmem:s26+$0x0];
	[tilespmem:s25+$0xE830] =	vst v0  }
0x47: {  	v7 =	vld [tilespmem:s26+$0x10];
	[tilespmem:s25+$0xE840] =	vst v1  }
.Ltmp3:
0x48: {  	v2 =	vld [tilespmem:s26+$0x20];
	[tilespmem:s25+$0xE850] =	vst v3;
	(pc) =	sbr.rel @p0 .LBB2_4-.Ltmp3, $4  }
0x49: {  	v0 =	vld [tilespmem:s26+$0x30];
	[tilespmem:s25+$0xE860] =	vst v4;
	s25 =	smov.u32 s26  }
0x4a: {  	v1 =	vld [tilespmem:s25+$0x40];
	[tilespmem:s25+$0xE870] =	vst v5  }
0x4b: {  	[tilespmem:s25+$0xE800] =	vst v6;
	v3 =	vld [tilespmem:s25+$0x50]  }
0x4c: {  	s26 =	sshra.s32 s28, $0x2;
	s28 =	sadd.s32 $0x200, s28;
	[tilespmem:s25+$0xE810] =	vst v7;
	v4 =	vld [tilespmem:s25+$0x60]  }
0x4d: {  	v5 =	vld [tilespmem:s26+$0x70];
	[tilespmem:s25+$0xE820] =	vst v2  }
0x4e: {  	v2 =	vld [tilespmem:s26+$0x0];
	[tilespmem:s25+$0xE830] =	vst v0  }
0x4f: {  	v0 =	vld [tilespmem:s26+$0x10];
	[tilespmem:s25+$0xE840] =	vst v1  }
0x50: {  	v1 =	vld [tilespmem:s26+$0x20];
	[tilespmem:s25+$0xE850] =	vst v3  }
0x51: {  	v3 =	vld [tilespmem:s26+$0x30];
	[tilespmem:s25+$0xE860] =	vst v4  }
0x52: {  	v4 =	vld [tilespmem:s26+$0x40];
	[tilespmem:s26+$0xE870] =	vst v5  }
0x53: {  	v62 =	vld [tilespmem:s26+$0x50];
	[tilespmem:s26+$0xE800] =	vst v2  }
0x54: {  	v63 =	vld [tilespmem:s26+$0x60];
	[tilespmem:s26+$0xE810] =	vst v0  }
0x55: {  	[tilespmem:s26+$0xE820] =	vst v1  }
0x56: {  	[tilespmem:s26+$0xE830] =	vst v3  }
0x57: {  	[tilespmem:s26+$0xE840] =	vst v4  }
0x58: {  	[tilespmem:s26+$0xE850] =	vst v62  }
0x59: {  	[tilespmem:s26+$0xE860] =	vst v63  }
0x5a: {  	[tilespmem:s17], [sflag:$0x2] =	stream.indirect.gather.add.f32 [hbm:s1], $0x80, s16, s12, $0xb8;
	[tilespmem:$0x14C00] =	vst v63  }
0x5b: {  	s25 =	simm.s32 $0x0;
	s26 =	simm.s32 $0x0  }
0x5c: {  	[tilespmem:s19], [sflag:$0x2] =	stream.indirect.gather.add.f32 [hbm:s1], $0x80, s18, s12, $0xb8;
	[tilespmem:$0x14C00] =	vst v63  }
.LBB2_6:
0x5d: {  	_ =	swait.ge [sflag:s20], $0x3200  }
0x5e: {  	s28 =	smul.u32 $0x190, s26;
	[sflag:s20] =	ssyncset.done $0x0  }
0x5f: {  	[sflag:s20] =	ssyncadd.s32 $0xFFFFCE00  }
0x60: {  	s29 =	sadd.s32 s6, s28;
	_ =	swait.ge [sflag:s20], $0x3200  }
0x61: {  	p0 =	seq.s32 s26, $0xF;
	s29 =	sshll.u32 s29, $0x4;
	[sflag:s20] =	ssyncset.done $0x0  }
.Ltmp4:
0x62: {  	s29 =	sadd.s32 s4, s29;
	[sflag:s20] =	ssyncadd.s32 $0xFFFFCE00;
	(pc) =	sbr.rel @p0 .LBB2_10-.Ltmp4, $4  }
0x63: {  	[hbm4b:s29+s25] =	stream.linear.scatter [tilespmem:s13], [sflag:$0x3], $0x6400, $0x38;
	[tilespmem:$0x14C00] =	vst v63  }
0x64: {  	_ =	swait.ge [sflag:s21], $0x6400  }
0x65: {  	[sflag:s21] =	ssyncset.done $0x0  }
0x66: {  	[sflag:s21] =	ssyncadd.s32 $0xFFFF9C00  }
0x67: {  	s29 =	simm.s32 $0x0  }
0x68: {  	v3 =	vld [tilespmem:s29+$0x70]  }
0x69: {  	v4 =	vld [tilespmem:s29+$0x0]  }
0x6a: {  	v5 =	vld [tilespmem:s29+$0x10]  }
0x6b: {  	v2 =	vld [tilespmem:s29+$0x20]  }
0x6c: {  	v0 =	vld [tilespmem:s29+$0x30]  }
0x6d: {  	v1 =	vld [tilespmem:s29+$0x40];
	[tilespmem:s29+$0x8470] =	vst v3  }
0x6e: {  	[tilespmem:s29+$0x8400] =	vst v4;
	v3 =	vld [tilespmem:s29+$0x50]  }
0x6f: {  	s30 =	simm.s32 $0x80;
	s31 =	simm.s32 $0x400;
	[tilespmem:s29+$0x8410] =	vst v5;
	v4 =	vld [tilespmem:s29+$0x60]  }
.LBB2_8:
0x70: {  	p1 =	sne.s32 s31, $0x18E00;
	v5 =	vld [tilespmem:s30+$0x70];
	[tilespmem:s29+$0x8420] =	vst v2  }
0x71: {  	v6 =	vld [tilespmem:s30+$0x0];
	[tilespmem:s29+$0x8430] =	vst v0  }
0x72: {  	v7 =	vld [tilespmem:s30+$0x10];
	[tilespmem:s29+$0x8440] =	vst v1  }
.Ltmp5:
0x73: {  	v2 =	vld [tilespmem:s30+$0x20];
	[tilespmem:s29+$0x8450] =	vst v3;
	(pc) =	sbr.rel @p1 .LBB2_8-.Ltmp5, $4  }
0x74: {  	v0 =	vld [tilespmem:s30+$0x30];
	[tilespmem:s29+$0x8460] =	vst v4;
	s29 =	smov.u32 s30  }
0x75: {  	v1 =	vld [tilespmem:s29+$0x40];
	[tilespmem:s29+$0x8470] =	vst v5  }
0x76: {  	[tilespmem:s29+$0x8400] =	vst v6;
	v3 =	vld [tilespmem:s29+$0x50]  }
0x77: {  	s30 =	sshra.s32 s31, $0x2;
	s31 =	sadd.s32 $0x200, s31;
	[tilespmem:s29+$0x8410] =	vst v7;
	v4 =	vld [tilespmem:s29+$0x60]  }
0x78: {  	v5 =	vld [tilespmem:s30+$0x70];
	[tilespmem:s29+$0x8420] =	vst v2  }
0x79: {  	v2 =	vld [tilespmem:s30+$0x0];
	[tilespmem:s29+$0x8430] =	vst v0  }
0x7a: {  	v0 =	vld [tilespmem:s30+$0x10];
	[tilespmem:s29+$0x8440] =	vst v1  }
0x7b: {  	v1 =	vld [tilespmem:s30+$0x20];
	[tilespmem:s29+$0x8450] =	vst v3  }
0x7c: {  	v3 =	vld [tilespmem:s30+$0x30];
	[tilespmem:s29+$0x8460] =	vst v4  }
0x7d: {  	v4 =	vld [tilespmem:s30+$0x40];
	[tilespmem:s30+$0x8470] =	vst v5  }
0x7e: {  	v62 =	vld [tilespmem:s30+$0x50];
	[tilespmem:s30+$0x8400] =	vst v2  }
0x7f: {  	v63 =	vld [tilespmem:s30+$0x60];
	[tilespmem:s30+$0x8410] =	vst v0  }
0x80: {  	[tilespmem:s30+$0x8420] =	vst v1  }
0x81: {  	[tilespmem:s30+$0x8430] =	vst v3  }
0x82: {  	s31 =	sshll.u32 s26, $0x9;
	[tilespmem:s30+$0x8440] =	vst v4  }
0x83: {  	s29 =	sand.u32 $0x3FFFFE00, s31;
	[tilespmem:s30+$0x8450] =	vst v62  }
0x84: {  	s31 =	sadd.s32 $0x6600, s29;
	[tilespmem:s30+$0x8460] =	vst v63  }
0x85: {  	[tilespmem:s13], [sflag:$0x1] =	stream.indirect.gather.add.f32 [hbm:s1], $0x80, s31, s12, $0xb8;
	[tilespmem:$0x14C00] =	vst v63  }
0x86: {  	s29 =	sadd.s32 $0x6680, s29  }
0x87: {  	[tilespmem:s15], [sflag:$0x1] =	stream.indirect.gather.add.f32 [hbm:s1], $0x80, s29, s12, $0xb8;
	[tilespmem:$0x14C00] =	vst v63  }
.LBB2_10:
0x88: {  	_ =	swait.ge [sflag:s22], $0x3200  }
0x89: {  	[sflag:s22] =	ssyncset.done $0x0  }
0x8a: {  	[sflag:s22] =	ssyncadd.s32 $0xFFFFCE00  }
0x8b: {  	s28 =	sadd.s32 s28, s8;
	_ =	swait.ge [sflag:s22], $0x3200  }
0x8c: {  	s29 =	simm.s32 $0x0;
	s28 =	sshll.u32 s28, $0x4;
	[sflag:s22] =	ssyncset.done $0x0  }
.Ltmp6:
0x8d: {  	s28 =	sadd.s32 s4, s28;
	[sflag:s22] =	ssyncadd.s32 $0xFFFFCE00;
	(pc) =	sbr.rel @p0 .LBB2_14-.Ltmp6, $4  }
0x8e: {  	[hbm4b:s28+s29] =	stream.linear.scatter [tilespmem:s17], [sflag:$0x4], $0x6400, $0x38;
	[tilespmem:$0x14C00] =	vst v63  }
0x8f: {  	_ =	swait.ge [sflag:s23], $0x6400  }
0x90: {  	[sflag:s23] =	ssyncset.done $0x0  }
0x91: {  	[sflag:s23] =	ssyncadd.s32 $0xFFFF9C00  }
0x92: {  	s28 =	simm.s32 $0x0  }
0x93: {  	v3 =	vld [tilespmem:s28+$0x70]  }
0x94: {  	v4 =	vld [tilespmem:s28+$0x0]  }
0x95: {  	v5 =	vld [tilespmem:s28+$0x10]  }
0x96: {  	v2 =	vld [tilespmem:s28+$0x20]  }
0x97: {  	v0 =	vld [tilespmem:s28+$0x30]  }
0x98: {  	v1 =	vld [tilespmem:s28+$0x40];
	[tilespmem:s28+$0xE870] =	vst v3  }
0x99: {  	[tilespmem:s28+$0xE800] =	vst v4;
	v3 =	vld [tilespmem:s28+$0x50]  }
0x9a: {  	s29 =	simm.s32 $0x80;
	s30 =	simm.s32 $0x400;
	[tilespmem:s28+$0xE810] =	vst v5;
	v4 =	vld [tilespmem:s28+$0x60]  }
.LBB2_12:
0x9b: {  	p0 =	sne.s32 s30, $0x18E00;
	v5 =	vld [tilespmem:s29+$0x70];
	[tilespmem:s28+$0xE820] =	vst v2  }
0x9c: {  	v6 =	vld [tilespmem:s29+$0x0];
	[tilespmem:s28+$0xE830] =	vst v0  }
0x9d: {  	v7 =	vld [tilespmem:s29+$0x10];
	[tilespmem:s28+$0xE840] =	vst v1  }
.Ltmp7:
0x9e: {  	v2 =	vld [tilespmem:s29+$0x20];
	[tilespmem:s28+$0xE850] =	vst v3;
	(pc) =	sbr.rel @p0 .LBB2_12-.Ltmp7, $4  }
0x9f: {  	v0 =	vld [tilespmem:s29+$0x30];
	[tilespmem:s28+$0xE860] =	vst v4;
	s28 =	smov.u32 s29  }
0xa0: {  	v1 =	vld [tilespmem:s28+$0x40];
	[tilespmem:s28+$0xE870] =	vst v5  }
0xa1: {  	[tilespmem:s28+$0xE800] =	vst v6;
	v3 =	vld [tilespmem:s28+$0x50]  }
0xa2: {  	s29 =	sshra.s32 s30, $0x2;
	s30 =	sadd.s32 $0x200, s30;
	[tilespmem:s28+$0xE810] =	vst v7;
	v4 =	vld [tilespmem:s28+$0x60]  }
0xa3: {  	v5 =	vld [tilespmem:s29+$0x70];
	[tilespmem:s28+$0xE820] =	vst v2  }
0xa4: {  	v2 =	vld [tilespmem:s29+$0x0];
	[tilespmem:s28+$0xE830] =	vst v0  }
0xa5: {  	v0 =	vld [tilespmem:s29+$0x10];
	[tilespmem:s28+$0xE840] =	vst v1  }
0xa6: {  	v1 =	vld [tilespmem:s29+$0x20];
	[tilespmem:s28+$0xE850] =	vst v3  }
0xa7: {  	v3 =	vld [tilespmem:s29+$0x30];
	[tilespmem:s28+$0xE860] =	vst v4  }
0xa8: {  	v4 =	vld [tilespmem:s29+$0x40];
	[tilespmem:s29+$0xE870] =	vst v5  }
0xa9: {  	v62 =	vld [tilespmem:s29+$0x50];
	[tilespmem:s29+$0xE800] =	vst v2  }
0xaa: {  	v63 =	vld [tilespmem:s29+$0x60];
	[tilespmem:s29+$0xE810] =	vst v0  }
0xab: {  	[tilespmem:s29+$0xE820] =	vst v1  }
0xac: {  	[tilespmem:s29+$0xE830] =	vst v3  }
0xad: {  	s30 =	sshll.u32 s26, $0x9;
	[tilespmem:s29+$0xE840] =	vst v4  }
.Ltmp8:
0xae: {  	s28 =	sand.u32 $0x3FFFFE00, s30;
	[tilespmem:s29+$0xE850] =	vst v62;
	(pc) =	sbr.rel .LBB2_6-.Ltmp8, $4  }
0xaf: {  	s31 =	sadd.s32 $0x6700, s28;
	[tilespmem:s29+$0xE860] =	vst v63  }
0xb0: {  	[tilespmem:s17], [sflag:$0x2] =	stream.indirect.gather.add.f32 [hbm:s1], $0x80, s31, s12, $0xb8;
	[tilespmem:$0x14C00] =	vst v63  }
0xb1: {  	s26 =	sadd.s32 $0x1, s26;
	s28 =	sadd.s32 $0x6780, s28  }
0xb2: {  	[tilespmem:s19], [sflag:$0x2] =	stream.indirect.gather.add.f32 [hbm:s1], $0x80, s28, s12, $0xb8;
	[tilespmem:$0x14C00] =	vst v63  }
.LBB2_15:
0xb3: {  	_ =	sfence.sel $0x180000  }
0xb4: {  	[bflag:$0x0] =	sbarrier.arrive $0xFFFF  }
0xb5: {  	p0 =	sne.s32 s2, $0x0;
	_ =	strace $0x90000047  }
0xb6: {  	s0 =	sadd.s32 @!p0 $0x100000, s0;
	[bflag:$0x2] =	sbarrier.arrive $0xFFFF  }
0xb7: {  	[sflag:s0] =	ssyncadd.tile.s32 @!p0 $0x1;
	_ =	shalt  }
.Lfunc_end2:
_tile_overlayer_lowered:
.L_overlay_start_2:
0xb8: {  	(tag) =	ssettag $0x2  }
0xb9: {  	s0 =	rddreg [dreg:$0x0];
	s2 =	stileid.u32  }
0xba: {  	s1 =	rddreg [dreg:$0x1];
	p0 =	sne.s32 s2, $0x0  }
0xbb: {  	s3 =	rddreg [dreg:$0x2];
	[bflag:$0x3] =	sbarrier.arrive $0xFFFF;
	s2 =	simm.s32 @!p0 $0x1C05  }
0xbc: {  	[timem:s3], [sflag:s2] =	dma.local @!p0 [hbm:s0], s1  }
0xbd: {  	s0 =	simm.s32 @!p0 $0x5  }
0xbe: {  	_ =	swait.ge @!p0 [sflag:s0], s1  }
0xbf: {  	s1 =	ssub.s32 @!p0 $0x0, s1;
	[sflag:s0] =	ssyncset.done @!p0 $0x0  }
0xc0: {  	[sflag:s0] =	ssyncadd.s32 @!p0 s1  }
0xc1: {  	[bflag:$0x3] =	sbarrier.arrive $0xFFFF  }
0xc2: {  	_ =	shalt  }

</sc_bundles>
